<compile_context>
chip_gen: v7x
topology: tpu7x:2x2x1
jax: 0.10.2.dev20260603
libtpu: 0.0.44.dev20260713+nightly
codegen_flags: <defaults>
</compile_context>

<pallas_src>
import functools

import jax
import jax.numpy as jnp
from jax import lax
from jax.experimental import pallas as pl
from jax.experimental.pallas import tpu as pltpu
from jax.experimental.pallas import tpu_sc as plsc

NC = 2
NS = 16
NW = NC * NS
CHUNK = 128
NBUF = 5
LAG = 2
ROW = 128


def _make_lookup(B, H, D):
    total = B * H
    K = total // CHUNK
    kpt = K // NW
    n_groups = kpt // NBUF
    assert total % (NW * CHUNK) == 0 and kpt % NBUF == 0 and n_groups >= 3
    mesh = plsc.VectorSubcoreMesh(
        core_axis_name="c", subcore_axis_name="s",
        num_cores=NC, num_subcores=NS,
    )

    @functools.partial(
        pl.kernel,
        mesh=mesh,
        out_type=jax.ShapeDtypeStruct((K, CHUNK, D), jnp.float32),
        scratch_types=[
            pltpu.VMEM((kpt, CHUNK), jnp.int32),
            pltpu.VMEM((NBUF, CHUNK, ROW), jnp.float32),
            pltpu.SemaphoreType.DMA((NBUF,)),
            pltpu.SemaphoreType.DMA((NBUF,)),
        ],
        compiler_params=pltpu.CompilerParams(
            use_tc_tiling_on_sc=False, needs_layout_passes=False
        ),
    )
    def run(idx_hbm, table_hbm, out_hbm, idx_v, rows_v, gsem, ssem):
        wid = lax.axis_index("s") * NC + lax.axis_index("c")
        k0 = wid * kpt
        pltpu.sync_copy(idx_hbm.at[pl.ds(k0, kpt)], idx_v)

        def gather_start(k, b):
            pltpu.async_copy(
                table_hbm.at[idx_v.at[k]], rows_v.at[b], gsem.at[b]
            )

        def gather_wait(b):
            pltpu.make_async_copy(
                table_hbm.at[pl.ds(0, CHUNK)], rows_v.at[b], gsem.at[b]
            ).wait()

        def store_start(k, b):
            pltpu.async_copy(
                rows_v.at[b, :, pl.ds(0, D)], out_hbm.at[k0 + k], ssem.at[b]
            )

        def store_wait(b):
            pltpu.make_async_copy(
                table_hbm.at[pl.ds(0, CHUNK // 2)],
                rows_v.at[b, pl.ds(0, CHUNK // 2)],
                ssem.at[b],
            ).wait()

        for b in range(NBUF):
            gather_start(b, b)

        for k in range(NBUF):
            gather_wait(k)
            store_start(k, k)
            if k >= LAG:
                b2 = k - LAG
                store_wait(b2)
                gather_start(k - LAG + NBUF, b2)

        def group(g, _):
            for b in range(NBUF):
                k = g * NBUF + b
                gather_wait(b)
                store_start(k, b)
                b2 = (b - LAG) % NBUF
                store_wait(b2)
                gather_start(k - LAG + NBUF, b2)
            return 0

        lax.fori_loop(1, n_groups - 1, group, 0)

        for b in range(NBUF):
            k = (n_groups - 1) * NBUF + b
            gather_wait(b)
            store_start(k, b)
            if b < LAG:
                b2 = (b - LAG) % NBUF
                store_wait(b2)
                gather_start(k - LAG + NBUF, b2)
        for b in range(NBUF):
            store_wait(b)

    return run


def kernel(input_tokens, table):
    B, H = input_tokens.shape
    V, D = table.shape
    idx = input_tokens.astype(jnp.int32).reshape(-1, CHUNK)
    tbl = jnp.pad(table, ((0, 0), (0, 128 - D)))
    x = _make_lookup(B, H, D)(idx, tbl)
    return x.reshape(B, H, D)

# --- scband reference (transcript-rebuilt; emitter-appended) ---
"""Pipeline reference for scband-embedding-layer-61280593379987 (READ-ONLY COPY).

The authoritative reference and input builder live on the scoring server;
editing this copy changes nothing except your own understanding.
"""

import jax, jax.numpy as jnp
import numpy as np

VOCAB = 1000000
EMBED_DIM = 64
BATCH = 16384
HIST = 50

def setup_inputs(seed: int = 0) -> dict:
    key = jax.random.key(seed)
    k_idx, k_tab = jax.random.split(key)
    input_tokens = jax.random.randint(k_idx, (BATCH, HIST), 0, VOCAB, dtype=jnp.int64 if jax.config.jax_enable_x64 else jnp.int32)
    table = jax.random.normal(k_tab, (VOCAB, EMBED_DIM), dtype=jnp.float32)
    return {"input_tokens": input_tokens, "table": table}

def reference(input_tokens, table):
    # nn.Embedding lookup: gather rows of the embedding table
    return jnp.take(table, input_tokens, axis=0)

if __name__ == "__main__":
    import jax
    _d = setup_inputs()
    print(jax.jit(kernel)(*tuple(_d.values())))

</pallas_src>

<mosaic_0001>
#map = affine_map<(d0, d1) -> (0, 0)>
#map1 = affine_map<(d0, d1) -> (0, 0, 0)>
module attributes {stable_mosaic.version = 14 : i64} {
  func.func @run(%arg0: i32, %arg1: i32, %arg2: memref<6400x128xi32, #tpu.memory_space<hbm>>, %arg3: memref<1000000x128xf32, #tpu.memory_space<hbm>>, %arg4: memref<6400x128x64xf32, #tpu.memory_space<hbm>>, %arg5: memref<200x128xi32, #tpu.memory_space<vmem>>, %arg6: memref<5x128x128xf32, #tpu.memory_space<vmem>>, %arg7: memref<5x!tpu.dma_semaphore, #tpu.memory_space<semaphore_mem>>, %arg8: memref<5x!tpu.dma_semaphore, #tpu.memory_space<semaphore_mem>>) attributes {dimension_semantics = [#tpu.dimension_semantics<core_parallel>, #tpu.dimension_semantics<subcore_parallel>], iteration_bounds = array<i64: 2, 16>, scalar_prefetch = 0 : i64, scratch_operands = 4 : i64, tpu.core_type = #tpu.core_type<sc_vector_subcore>, window_params = [{transform_indices = #map}, {transform_indices = #map}, {transform_indices = #map1}]} {
    %mul3A = arith.constant 2 : i32
    %mul3A_0 = arith.muli %arg1, %mul3A : i32
    %add3A = arith.addi %mul3A_0, %arg0 : i32
    %mul3A_1 = arith.constant 200 : i32
    %mul3A_2 = arith.muli %add3A, %mul3A_1 : i32
    "tpu.region"() ({
      %run_scoped3A = tpu.sem_alloc : memref<!tpu.dma_semaphore, #tpu.memory_space<semaphore_mem>>
      %dma_start3A_737 = arith.constant 0 : i32
      %dma_start3A_738 = tpu.memref_slice %arg2[%mul3A_2, %dma_start3A_737] : memref<6400x128xi32, #tpu.memory_space<hbm>> -> memref<200x128xi32, #tpu.memory_space<hbm>>
      %dma_start3A_739 = arith.constant 0 : i32
      %dma_start3A_740 = tpu.memref_slice %arg2[%mul3A_2, %dma_start3A_739] : memref<6400x128xi32, #tpu.memory_space<hbm>> -> memref<200x128xi32, #tpu.memory_space<hbm>>
      tpu.enqueue_dma source(%dma_start3A_740 : memref<200x128xi32, #tpu.memory_space<hbm>>) target(%arg5 : memref<200x128xi32, #tpu.memory_space<vmem>>) target_semaphore(%run_scoped3A : memref<!tpu.dma_semaphore, #tpu.memory_space<semaphore_mem>>)
      %dma_wait3A_741 = arith.constant 0 : i32
      %dma_wait3A_742 = tpu.memref_slice %arg2[%mul3A_2, %dma_wait3A_741] : memref<6400x128xi32, #tpu.memory_space<hbm>> -> memref<200x128xi32, #tpu.memory_space<hbm>>
      %dma_wait3A_743 = arith.constant 0 : i32
      %dma_wait3A_744 = tpu.memref_slice %arg2[%mul3A_2, %dma_wait3A_743] : memref<6400x128xi32, #tpu.memory_space<hbm>> -> memref<200x128xi32, #tpu.memory_space<hbm>>
      tpu.wait_dma2 semaphore(%run_scoped3A : memref<!tpu.dma_semaphore, #tpu.memory_space<semaphore_mem>>) src(%dma_wait3A_744 : memref<200x128xi32, #tpu.memory_space<hbm>>) dst(%arg5 : memref<200x128xi32, #tpu.memory_space<vmem>>)
      tpu.yield
    }) : () -> ()
    %dma_start3A = arith.constant 0 : i32
    %dma_start3A_3 = arith.constant 0 : i32
    %dma_start3A_4 = arith.constant 0 : i32
    %dma_start3A_5 = arith.constant 0 : i32
    %dma_start3A_6 = arith.constant 0 : i32
    %dma_start3A_7 = tpu.memref_slice %arg6[%dma_start3A_3, %dma_start3A_5, %dma_start3A_6] : memref<5x128x128xf32, #tpu.memory_space<vmem>> -> memref<1x128x128xf32, #tpu.memory_space<vmem>>
    %dma_start3A_8 = tpu.memref_squeeze %dma_start3A_7 : memref<1x128x128xf32, #tpu.memory_space<vmem>> -> memref<128x128xf32, #tpu.memory_space<vmem>>
    %dma_start3A_9 = arith.constant 0 : i32
    %dma_start3A_10 = tpu.memref_slice %arg5[%dma_start3A, %dma_start3A_9] : memref<200x128xi32, #tpu.memory_space<vmem>> -> memref<1x128xi32, #tpu.memory_space<vmem>>
    %dma_start3A_11 = tpu.memref_squeeze %dma_start3A_10 : memref<1x128xi32, #tpu.memory_space<vmem>> -> memref<128xi32, #tpu.memory_space<vmem>>
    %dma_start3A_12 = arith.constant 0 : i32
    %dma_start3A_13 = arith.constant 0 : i32
    %dma_start3A_14 = tpu.memref_slice %arg3[%dma_start3A_12, %dma_start3A_13] : memref<1000000x128xf32, #tpu.memory_space<hbm>> -> memref<1000000x128xf32, #tpu.memory_space<hbm>>
    %dma_start3A_15 = tpu.memref_slice %arg7[%dma_start3A_4] : memref<5x!tpu.dma_semaphore, #tpu.memory_space<semaphore_mem>> -> memref<1x!tpu.dma_semaphore, #tpu.memory_space<semaphore_mem>>
    %dma_start3A_16 = tpu.memref_squeeze %dma_start3A_15 : memref<1x!tpu.dma_semaphore, #tpu.memory_space<semaphore_mem>> -> memref<!tpu.dma_semaphore, #tpu.memory_space<semaphore_mem>>
    tpu.enqueue_indirect_dma source(%dma_start3A_14 : memref<1000000x128xf32, #tpu.memory_space<hbm>>) target(%dma_start3A_8 : memref<128x128xf32, #tpu.memory_space<vmem>>) offsets(%dma_start3A_11 : memref<128xi32, #tpu.memory_space<vmem>>) semaphore(%dma_start3A_16 : memref<!tpu.dma_semaphore, #tpu.memory_space<semaphore_mem>>)
    %dma_start3A_17 = arith.constant 1 : i32
    %dma_start3A_18 = arith.constant 1 : i32
    %dma_start3A_19 = arith.constant 1 : i32
    %dma_start3A_20 = arith.constant 0 : i32
    %dma_start3A_21 = arith.constant 0 : i32
    %dma_start3A_22 = tpu.memref_slice %arg6[%dma_start3A_18, %dma_start3A_20, %dma_start3A_21] : memref<5x128x128xf32, #tpu.memory_space<vmem>> -> memref<1x128x128xf32, #tpu.memory_space<vmem>>
    %dma_start3A_23 = tpu.memref_squeeze %dma_start3A_22 : memref<1x128x128xf32, #tpu.memory_space<vmem>> -> memref<128x128xf32, #tpu.memory_space<vmem>>
    %dma_start3A_24 = arith.constant 0 : i32
    %dma_start3A_25 = tpu.memref_slice %arg5[%dma_start3A_17, %dma_start3A_24] : memref<200x128xi32, #tpu.memory_space<vmem>> -> memref<1x128xi32, #tpu.memory_space<vmem>>
    %dma_start3A_26 = tpu.memref_squeeze %dma_start3A_25 : memref<1x128xi32, #tpu.memory_space<vmem>> -> memref<128xi32, #tpu.memory_space<vmem>>
    %dma_start3A_27 = arith.constant 0 : i32
    %dma_start3A_28 = arith.constant 0 : i32
    %dma_start3A_29 = tpu.memref_slice %arg3[%dma_start3A_27, %dma_start3A_28] : memref<1000000x128xf32, #tpu.memory_space<hbm>> -> memref<1000000x128xf32, #tpu.memory_space<hbm>>
    %dma_start3A_30 = tpu.memref_slice %arg7[%dma_start3A_19] : memref<5x!tpu.dma_semaphore, #tpu.memory_space<semaphore_mem>> -> memref<1x!tpu.dma_semaphore, #tpu.memory_space<semaphore_mem>>
    %dma_start3A_31 = tpu.memref_squeeze %dma_start3A_30 : memref<1x!tpu.dma_semaphore, #tpu.memory_space<semaphore_mem>> -> memref<!tpu.dma_semaphore, #tpu.memory_space<semaphore_mem>>
    tpu.enqueue_indirect_dma source(%dma_start3A_29 : memref<1000000x128xf32, #tpu.memory_space<hbm>>) target(%dma_start3A_23 : memref<128x128xf32, #tpu.memory_space<vmem>>) offsets(%dma_start3A_26 : memref<128xi32, #tpu.memory_space<vmem>>) semaphore(%dma_start3A_31 : memref<!tpu.dma_semaphore, #tpu.memory_space<semaphore_mem>>)
    %dma_start3A_32 = arith.constant 2 : i32
    %dma_start3A_33 = arith.constant 2 : i32
    %dma_start3A_34 = arith.constant 2 : i32
    %dma_start3A_35 = arith.constant 0 : i32
    %dma_start3A_36 = arith.constant 0 : i32
    %dma_start3A_37 = tpu.memref_slice %arg6[%dma_start3A_33, %dma_start3A_35, %dma_start3A_36] : memref<5x128x128xf32, #tpu.memory_space<vmem>> -> memref<1x128x128xf32, #tpu.memory_space<vmem>>
    %dma_start3A_38 = tpu.memref_squeeze %dma_start3A_37 : memref<1x128x128xf32, #tpu.memory_space<vmem>> -> memref<128x128xf32, #tpu.memory_space<vmem>>
    %dma_start3A_39 = arith.constant 0 : i32
    %dma_start3A_40 = tpu.memref_slice %arg5[%dma_start3A_32, %dma_start3A_39] : memref<200x128xi32, #tpu.memory_space<vmem>> -> memref<1x128xi32, #tpu.memory_space<vmem>>
    %dma_start3A_41 = tpu.memref_squeeze %dma_start3A_40 : memref<1x128xi32, #tpu.memory_space<vmem>> -> memref<128xi32, #tpu.memory_space<vmem>>
    %dma_start3A_42 = arith.constant 0 : i32
    %dma_start3A_43 = arith.constant 0 : i32
    %dma_start3A_44 = tpu.memref_slice %arg3[%dma_start3A_42, %dma_start3A_43] : memref<1000000x128xf32, #tpu.memory_space<hbm>> -> memref<1000000x128xf32, #tpu.memory_space<hbm>>
    %dma_start3A_45 = tpu.memref_slice %arg7[%dma_start3A_34] : memref<5x!tpu.dma_semaphore, #tpu.memory_space<semaphore_mem>> -> memref<1x!tpu.dma_semaphore, #tpu.memory_space<semaphore_mem>>
    %dma_start3A_46 = tpu.memref_squeeze %dma_start3A_45 : memref<1x!tpu.dma_semaphore, #tpu.memory_space<semaphore_mem>> -> memref<!tpu.dma_semaphore, #tpu.memory_space<semaphore_mem>>
    tpu.enqueue_indirect_dma source(%dma_start3A_44 : memref<1000000x128xf32, #tpu.memory_space<hbm>>) target(%dma_start3A_38 : memref<128x128xf32, #tpu.memory_space<vmem>>) offsets(%dma_start3A_41 : memref<128xi32, #tpu.memory_space<vmem>>) semaphore(%dma_start3A_46 : memref<!tpu.dma_semaphore, #tpu.memory_space<semaphore_mem>>)
    %dma_start3A_47 = arith.constant 3 : i32
    %dma_start3A_48 = arith.constant 3 : i32
    %dma_start3A_49 = arith.constant 3 : i32
    %dma_start3A_50 = arith.constant 0 : i32
    %dma_start3A_51 = arith.constant 0 : i32
    %dma_start3A_52 = tpu.memref_slice %arg6[%dma_start3A_48, %dma_start3A_50, %dma_start3A_51] : memref<5x128x128xf32, #tpu.memory_space<vmem>> -> memref<1x128x128xf32, #tpu.memory_space<vmem>>
    %dma_start3A_53 = tpu.memref_squeeze %dma_start3A_52 : memref<1x128x128xf32, #tpu.memory_space<vmem>> -> memref<128x128xf32, #tpu.memory_space<vmem>>
    %dma_start3A_54 = arith.constant 0 : i32
    %dma_start3A_55 = tpu.memref_slice %arg5[%dma_start3A_47, %dma_start3A_54] : memref<200x128xi32, #tpu.memory_space<vmem>> -> memref<1x128xi32, #tpu.memory_space<vmem>>
    %dma_start3A_56 = tpu.memref_squeeze %dma_start3A_55 : memref<1x128xi32, #tpu.memory_space<vmem>> -> memref<128xi32, #tpu.memory_space<vmem>>
    %dma_start3A_57 = arith.constant 0 : i32
    %dma_start3A_58 = arith.constant 0 : i32
    %dma_start3A_59 = tpu.memref_slice %arg3[%dma_start3A_57, %dma_start3A_58] : memref<1000000x128xf32, #tpu.memory_space<hbm>> -> memref<1000000x128xf32, #tpu.memory_space<hbm>>
    %dma_start3A_60 = tpu.memref_slice %arg7[%dma_start3A_49] : memref<5x!tpu.dma_semaphore, #tpu.memory_space<semaphore_mem>> -> memref<1x!tpu.dma_semaphore, #tpu.memory_space<semaphore_mem>>
    %dma_start3A_61 = tpu.memref_squeeze %dma_start3A_60 : memref<1x!tpu.dma_semaphore, #tpu.memory_space<semaphore_mem>> -> memref<!tpu.dma_semaphore, #tpu.memory_space<semaphore_mem>>
    tpu.enqueue_indirect_dma source(%dma_start3A_59 : memref<1000000x128xf32, #tpu.memory_space<hbm>>) target(%dma_start3A_53 : memref<128x128xf32, #tpu.memory_space<vmem>>) offsets(%dma_start3A_56 : memref<128xi32, #tpu.memory_space<vmem>>) semaphore(%dma_start3A_61 : memref<!tpu.dma_semaphore, #tpu.memory_space<semaphore_mem>>)
    %dma_start3A_62 = arith.constant 4 : i32
    %dma_start3A_63 = arith.constant 4 : i32
    %dma_start3A_64 = arith.constant 4 : i32
    %dma_start3A_65 = arith.constant 0 : i32
    %dma_start3A_66 = arith.constant 0 : i32
    %dma_start3A_67 = tpu.memref_slice %arg6[%dma_start3A_63, %dma_start3A_65, %dma_start3A_66] : memref<5x128x128xf32, #tpu.memory_space<vmem>> -> memref<1x128x128xf32, #tpu.memory_space<vmem>>
    %dma_start3A_68 = tpu.memref_squeeze %dma_start3A_67 : memref<1x128x128xf32, #tpu.memory_space<vmem>> -> memref<128x128xf32, #tpu.memory_space<vmem>>
    %dma_start3A_69 = arith.constant 0 : i32
    %dma_start3A_70 = tpu.memref_slice %arg5[%dma_start3A_62, %dma_start3A_69] : memref<200x128xi32, #tpu.memory_space<vmem>> -> memref<1x128xi32, #tpu.memory_space<vmem>>
    %dma_start3A_71 = tpu.memref_squeeze %dma_start3A_70 : memref<1x128xi32, #tpu.memory_space<vmem>> -> memref<128xi32, #tpu.memory_space<vmem>>
    %dma_start3A_72 = arith.constant 0 : i32
    %dma_start3A_73 = arith.constant 0 : i32
    %dma_start3A_74 = tpu.memref_slice %arg3[%dma_start3A_72, %dma_start3A_73] : memref<1000000x128xf32, #tpu.memory_space<hbm>> -> memref<1000000x128xf32, #tpu.memory_space<hbm>>
    %dma_start3A_75 = tpu.memref_slice %arg7[%dma_start3A_64] : memref<5x!tpu.dma_semaphore, #tpu.memory_space<semaphore_mem>> -> memref<1x!tpu.dma_semaphore, #tpu.memory_space<semaphore_mem>>
    %dma_start3A_76 = tpu.memref_squeeze %dma_start3A_75 : memref<1x!tpu.dma_semaphore, #tpu.memory_space<semaphore_mem>> -> memref<!tpu.dma_semaphore, #tpu.memory_space<semaphore_mem>>
    tpu.enqueue_indirect_dma source(%dma_start3A_74 : memref<1000000x128xf32, #tpu.memory_space<hbm>>) target(%dma_start3A_68 : memref<128x128xf32, #tpu.memory_space<vmem>>) offsets(%dma_start3A_71 : memref<128xi32, #tpu.memory_space<vmem>>) semaphore(%dma_start3A_76 : memref<!tpu.dma_semaphore, #tpu.memory_space<semaphore_mem>>)
    %dma_wait3A = arith.constant 0 : i32
    %dma_wait3A_77 = arith.constant 0 : i32
    %dma_wait3A_78 = arith.constant 0 : i32
    %dma_wait3A_79 = arith.constant 0 : i32
    %dma_wait3A_80 = tpu.memref_slice %arg6[%dma_wait3A, %dma_wait3A_78, %dma_wait3A_79] : memref<5x128x128xf32, #tpu.memory_space<vmem>> -> memref<1x128x128xf32, #tpu.memory_space<vmem>>
    %dma_wait3A_81 = tpu.memref_squeeze %dma_wait3A_80 : memref<1x128x128xf32, #tpu.memory_space<vmem>> -> memref<128x128xf32, #tpu.memory_space<vmem>>
    %dma_wait3A_82 = arith.constant 0 : i32
    %dma_wait3A_83 = arith.constant 0 : i32
    %dma_wait3A_84 = tpu.memref_slice %arg3[%dma_wait3A_82, %dma_wait3A_83] : memref<1000000x128xf32, #tpu.memory_space<hbm>> -> memref<128x128xf32, #tpu.memory_space<hbm>>
    %dma_wait3A_85 = tpu.memref_slice %arg7[%dma_wait3A_77] : memref<5x!tpu.dma_semaphore, #tpu.memory_space<semaphore_mem>> -> memref<1x!tpu.dma_semaphore, #tpu.memory_space<semaphore_mem>>
    %dma_wait3A_86 = tpu.memref_squeeze %dma_wait3A_85 : memref<1x!tpu.dma_semaphore, #tpu.memory_space<semaphore_mem>> -> memref<!tpu.dma_semaphore, #tpu.memory_space<semaphore_mem>>
    %dma_wait3A_87 = arith.constant 0 : i32
    %dma_wait3A_88 = arith.constant 0 : i32
    %dma_wait3A_89 = tpu.memref_slice %arg6[%dma_wait3A, %dma_wait3A_87, %dma_wait3A_88] : memref<5x128x128xf32, #tpu.memory_space<vmem>> -> memref<1x128x128xf32, #tpu.memory_space<vmem>>
    %dma_wait3A_90 = tpu.memref_squeeze %dma_wait3A_89 : memref<1x128x128xf32, #tpu.memory_space<vmem>> -> memref<128x128xf32, #tpu.memory_space<vmem>>
    %dma_wait3A_91 = arith.constant 0 : i32
    %dma_wait3A_92 = arith.constant 0 : i32
    %dma_wait3A_93 = tpu.memref_slice %arg3[%dma_wait3A_91, %dma_wait3A_92] : memref<1000000x128xf32, #tpu.memory_space<hbm>> -> memref<128x128xf32, #tpu.memory_space<hbm>>
    tpu.wait_dma2 semaphore(%dma_wait3A_86 : memref<!tpu.dma_semaphore, #tpu.memory_space<semaphore_mem>>) src(%dma_wait3A_93 : memref<128x128xf32, #tpu.memory_space<hbm>>) dst(%dma_wait3A_90 : memref<128x128xf32, #tpu.memory_space<vmem>>)
    %add3A_94 = arith.constant 0 : i32
    %add3A_95 = arith.addi %mul3A_2, %add3A_94 : i32
    %dma_start3A_96 = arith.constant 0 : i32
    %dma_start3A_97 = arith.constant 0 : i32
    %dma_start3A_98 = arith.constant 0 : i32
    %dma_start3A_99 = arith.constant 0 : i32
    %dma_start3A_100 = tpu.memref_slice %arg6[%dma_start3A_96, %dma_start3A_98, %dma_start3A_99] : memref<5x128x128xf32, #tpu.memory_space<vmem>> -> memref<1x128x64xf32, #tpu.memory_space<vmem>>
    %dma_start3A_101 = tpu.memref_squeeze %dma_start3A_100 : memref<1x128x64xf32, #tpu.memory_space<vmem>> -> memref<128x64xf32, #tpu.memory_space<vmem>>
    %dma_start3A_102 = arith.constant 0 : i32
    %dma_start3A_103 = arith.constant 0 : i32
    %dma_start3A_104 = tpu.memref_slice %arg4[%add3A_95, %dma_start3A_102, %dma_start3A_103] : memref<6400x128x64xf32, #tpu.memory_space<hbm>> -> memref<1x128x64xf32, #tpu.memory_space<hbm>>
    %dma_start3A_105 = tpu.memref_squeeze %dma_start3A_104 : memref<1x128x64xf32, #tpu.memory_space<hbm>> -> memref<128x64xf32, #tpu.memory_space<hbm>>
    %dma_start3A_106 = tpu.memref_slice %arg8[%dma_start3A_97] : memref<5x!tpu.dma_semaphore, #tpu.memory_space<semaphore_mem>> -> memref<1x!tpu.dma_semaphore, #tpu.memory_space<semaphore_mem>>
    %dma_start3A_107 = tpu.memref_squeeze %dma_start3A_106 : memref<1x!tpu.dma_semaphore, #tpu.memory_space<semaphore_mem>> -> memref<!tpu.dma_semaphore, #tpu.memory_space<semaphore_mem>>
    %dma_start3A_108 = arith.constant 0 : i32
    %dma_start3A_109 = arith.constant 0 : i32
    %dma_start3A_110 = tpu.memref_slice %arg4[%add3A_95, %dma_start3A_108, %dma_start3A_109] : memref<6400x128x64xf32, #tpu.memory_space<hbm>> -> memref<1x128x64xf32, #tpu.memory_space<hbm>>
    %dma_start3A_111 = tpu.memref_squeeze %dma_start3A_110 : memref<1x128x64xf32, #tpu.memory_space<hbm>> -> memref<128x64xf32, #tpu.memory_space<hbm>>
    %dma_start3A_112 = arith.constant 0 : i32
    %dma_start3A_113 = arith.constant 0 : i32
    %dma_start3A_114 = tpu.memref_slice %arg6[%dma_start3A_96, %dma_start3A_112, %dma_start3A_113] : memref<5x128x128xf32, #tpu.memory_space<vmem>> -> memref<1x128x64xf32, #tpu.memory_space<vmem>>
    %dma_start3A_115 = tpu.memref_squeeze %dma_start3A_114 : memref<1x128x64xf32, #tpu.memory_space<vmem>> -> memref<128x64xf32, #tpu.memory_space<vmem>>
    tpu.enqueue_dma source(%dma_start3A_115 : memref<128x64xf32, #tpu.memory_space<vmem>>) target(%dma_start3A_111 : memref<128x64xf32, #tpu.memory_space<hbm>>) target_semaphore(%dma_start3A_107 : memref<!tpu.dma_semaphore, #tpu.memory_space<semaphore_mem>>)
    %dma_wait3A_116 = arith.constant 1 : i32
    %dma_wait3A_117 = arith.constant 1 : i32
    %dma_wait3A_118 = arith.constant 0 : i32
    %dma_wait3A_119 = arith.constant 0 : i32
    %dma_wait3A_120 = tpu.memref_slice %arg6[%dma_wait3A_116, %dma_wait3A_118, %dma_wait3A_119] : memref<5x128x128xf32, #tpu.memory_space<vmem>> -> memref<1x128x128xf32, #tpu.memory_space<vmem>>
    %dma_wait3A_121 = tpu.memref_squeeze %dma_wait3A_120 : memref<1x128x128xf32, #tpu.memory_space<vmem>> -> memref<128x128xf32, #tpu.memory_space<vmem>>
    %dma_wait3A_122 = arith.constant 0 : i32
    %dma_wait3A_123 = arith.constant 0 : i32
    %dma_wait3A_124 = tpu.memref_slice %arg3[%dma_wait3A_122, %dma_wait3A_123] : memref<1000000x128xf32, #tpu.memory_space<hbm>> -> memref<128x128xf32, #tpu.memory_space<hbm>>
    %dma_wait3A_125 = tpu.memref_slice %arg7[%dma_wait3A_117] : memref<5x!tpu.dma_semaphore, #tpu.memory_space<semaphore_mem>> -> memref<1x!tpu.dma_semaphore, #tpu.memory_space<semaphore_mem>>
    %dma_wait3A_126 = tpu.memref_squeeze %dma_wait3A_125 : memref<1x!tpu.dma_semaphore, #tpu.memory_space<semaphore_mem>> -> memref<!tpu.dma_semaphore, #tpu.memory_space<semaphore_mem>>
    %dma_wait3A_127 = arith.constant 0 : i32
    %dma_wait3A_128 = arith.constant 0 : i32
    %dma_wait3A_129 = tpu.memref_slice %arg6[%dma_wait3A_116, %dma_wait3A_127, %dma_wait3A_128] : memref<5x128x128xf32, #tpu.memory_space<vmem>> -> memref<1x128x128xf32, #tpu.memory_space<vmem>>
    %dma_wait3A_130 = tpu.memref_squeeze %dma_wait3A_129 : memref<1x128x128xf32, #tpu.memory_space<vmem>> -> memref<128x128xf32, #tpu.memory_space<vmem>>
    %dma_wait3A_131 = arith.constant 0 : i32
    %dma_wait3A_132 = arith.constant 0 : i32
    %dma_wait3A_133 = tpu.memref_slice %arg3[%dma_wait3A_131, %dma_wait3A_132] : memref<1000000x128xf32, #tpu.memory_space<hbm>> -> memref<128x128xf32, #tpu.memory_space<hbm>>
    tpu.wait_dma2 semaphore(%dma_wait3A_126 : memref<!tpu.dma_semaphore, #tpu.memory_space<semaphore_mem>>) src(%dma_wait3A_133 : memref<128x128xf32, #tpu.memory_space<hbm>>) dst(%dma_wait3A_130 : memref<128x128xf32, #tpu.memory_space<vmem>>)
    %add3A_134 = arith.constant 1 : i32
    %add3A_135 = arith.addi %mul3A_2, %add3A_134 : i32
    %dma_start3A_136 = arith.constant 1 : i32
    %dma_start3A_137 = arith.constant 1 : i32
    %dma_start3A_138 = arith.constant 0 : i32
    %dma_start3A_139 = arith.constant 0 : i32
    %dma_start3A_140 = tpu.memref_slice %arg6[%dma_start3A_136, %dma_start3A_138, %dma_start3A_139] : memref<5x128x128xf32, #tpu.memory_space<vmem>> -> memref<1x128x64xf32, #tpu.memory_space<vmem>>
    %dma_start3A_141 = tpu.memref_squeeze %dma_start3A_140 : memref<1x128x64xf32, #tpu.memory_space<vmem>> -> memref<128x64xf32, #tpu.memory_space<vmem>>
    %dma_start3A_142 = arith.constant 0 : i32
    %dma_start3A_143 = arith.constant 0 : i32
    %dma_start3A_144 = tpu.memref_slice %arg4[%add3A_135, %dma_start3A_142, %dma_start3A_143] : memref<6400x128x64xf32, #tpu.memory_space<hbm>> -> memref<1x128x64xf32, #tpu.memory_space<hbm>>
    %dma_start3A_145 = tpu.memref_squeeze %dma_start3A_144 : memref<1x128x64xf32, #tpu.memory_space<hbm>> -> memref<128x64xf32, #tpu.memory_space<hbm>>
    %dma_start3A_146 = tpu.memref_slice %arg8[%dma_start3A_137] : memref<5x!tpu.dma_semaphore, #tpu.memory_space<semaphore_mem>> -> memref<1x!tpu.dma_semaphore, #tpu.memory_space<semaphore_mem>>
    %dma_start3A_147 = tpu.memref_squeeze %dma_start3A_146 : memref<1x!tpu.dma_semaphore, #tpu.memory_space<semaphore_mem>> -> memref<!tpu.dma_semaphore, #tpu.memory_space<semaphore_mem>>
    %dma_start3A_148 = arith.constant 0 : i32
    %dma_start3A_149 = arith.constant 0 : i32
    %dma_start3A_150 = tpu.memref_slice %arg4[%add3A_135, %dma_start3A_148, %dma_start3A_149] : memref<6400x128x64xf32, #tpu.memory_space<hbm>> -> memref<1x128x64xf32, #tpu.memory_space<hbm>>
    %dma_start3A_151 = tpu.memref_squeeze %dma_start3A_150 : memref<1x128x64xf32, #tpu.memory_space<hbm>> -> memref<128x64xf32, #tpu.memory_space<hbm>>
    %dma_start3A_152 = arith.constant 0 : i32
    %dma_start3A_153 = arith.constant 0 : i32
    %dma_start3A_154 = tpu.memref_slice %arg6[%dma_start3A_136, %dma_start3A_152, %dma_start3A_153] : memref<5x128x128xf32, #tpu.memory_space<vmem>> -> memref<1x128x64xf32, #tpu.memory_space<vmem>>
    %dma_start3A_155 = tpu.memref_squeeze %dma_start3A_154 : memref<1x128x64xf32, #tpu.memory_space<vmem>> -> memref<128x64xf32, #tpu.memory_space<vmem>>
    tpu.enqueue_dma source(%dma_start3A_155 : memref<128x64xf32, #tpu.memory_space<vmem>>) target(%dma_start3A_151 : memref<128x64xf32, #tpu.memory_space<hbm>>) target_semaphore(%dma_start3A_147 : memref<!tpu.dma_semaphore, #tpu.memory_space<semaphore_mem>>)
    %dma_wait3A_156 = arith.constant 2 : i32
    %dma_wait3A_157 = arith.constant 2 : i32
    %dma_wait3A_158 = arith.constant 0 : i32
    %dma_wait3A_159 = arith.constant 0 : i32
    %dma_wait3A_160 = tpu.memref_slice %arg6[%dma_wait3A_156, %dma_wait3A_158, %dma_wait3A_159] : memref<5x128x128xf32, #tpu.memory_space<vmem>> -> memref<1x128x128xf32, #tpu.memory_space<vmem>>
    %dma_wait3A_161 = tpu.memref_squeeze %dma_wait3A_160 : memref<1x128x128xf32, #tpu.memory_space<vmem>> -> memref<128x128xf32, #tpu.memory_space<vmem>>
    %dma_wait3A_162 = arith.constant 0 : i32
    %dma_wait3A_163 = arith.constant 0 : i32
    %dma_wait3A_164 = tpu.memref_slice %arg3[%dma_wait3A_162, %dma_wait3A_163] : memref<1000000x128xf32, #tpu.memory_space<hbm>> -> memref<128x128xf32, #tpu.memory_space<hbm>>
    %dma_wait3A_165 = tpu.memref_slice %arg7[%dma_wait3A_157] : memref<5x!tpu.dma_semaphore, #tpu.memory_space<semaphore_mem>> -> memref<1x!tpu.dma_semaphore, #tpu.memory_space<semaphore_mem>>
    %dma_wait3A_166 = tpu.memref_squeeze %dma_wait3A_165 : memref<1x!tpu.dma_semaphore, #tpu.memory_space<semaphore_mem>> -> memref<!tpu.dma_semaphore, #tpu.memory_space<semaphore_mem>>
    %dma_wait3A_167 = arith.constant 0 : i32
    %dma_wait3A_168 = arith.constant 0 : i32
    %dma_wait3A_169 = tpu.memref_slice %arg6[%dma_wait3A_156, %dma_wait3A_167, %dma_wait3A_168] : memref<5x128x128xf32, #tpu.memory_space<vmem>> -> memref<1x128x128xf32, #tpu.memory_space<vmem>>
    %dma_wait3A_170 = tpu.memref_squeeze %dma_wait3A_169 : memref<1x128x128xf32, #tpu.memory_space<vmem>> -> memref<128x128xf32, #tpu.memory_space<vmem>>
    %dma_wait3A_171 = arith.constant 0 : i32
    %dma_wait3A_172 = arith.constant 0 : i32
    %dma_wait3A_173 = tpu.memref_slice %arg3[%dma_wait3A_171, %dma_wait3A_172] : memref<1000000x128xf32, #tpu.memory_space<hbm>> -> memref<128x128xf32, #tpu.memory_space<hbm>>
    tpu.wait_dma2 semaphore(%dma_wait3A_166 : memref<!tpu.dma_semaphore, #tpu.memory_space<semaphore_mem>>) src(%dma_wait3A_173 : memref<128x128xf32, #tpu.memory_space<hbm>>) dst(%dma_wait3A_170 : memref<128x128xf32, #tpu.memory_space<vmem>>)
    %add3A_174 = arith.constant 2 : i32
    %add3A_175 = arith.addi %mul3A_2, %add3A_174 : i32
    %dma_start3A_176 = arith.constant 2 : i32
    %dma_start3A_177 = arith.constant 2 : i32
    %dma_start3A_178 = arith.constant 0 : i32
    %dma_start3A_179 = arith.constant 0 : i32
    %dma_start3A_180 = tpu.memref_slice %arg6[%dma_start3A_176, %dma_start3A_178, %dma_start3A_179] : memref<5x128x128xf32, #tpu.memory_space<vmem>> -> memref<1x128x64xf32, #tpu.memory_space<vmem>>
    %dma_start3A_181 = tpu.memref_squeeze %dma_start3A_180 : memref<1x128x64xf32, #tpu.memory_space<vmem>> -> memref<128x64xf32, #tpu.memory_space<vmem>>
    %dma_start3A_182 = arith.constant 0 : i32
    %dma_start3A_183 = arith.constant 0 : i32
    %dma_start3A_184 = tpu.memref_slice %arg4[%add3A_175, %dma_start3A_182, %dma_start3A_183] : memref<6400x128x64xf32, #tpu.memory_space<hbm>> -> memref<1x128x64xf32, #tpu.memory_space<hbm>>
    %dma_start3A_185 = tpu.memref_squeeze %dma_start3A_184 : memref<1x128x64xf32, #tpu.memory_space<hbm>> -> memref<128x64xf32, #tpu.memory_space<hbm>>
    %dma_start3A_186 = tpu.memref_slice %arg8[%dma_start3A_177] : memref<5x!tpu.dma_semaphore, #tpu.memory_space<semaphore_mem>> -> memref<1x!tpu.dma_semaphore, #tpu.memory_space<semaphore_mem>>
    %dma_start3A_187 = tpu.memref_squeeze %dma_start3A_186 : memref<1x!tpu.dma_semaphore, #tpu.memory_space<semaphore_mem>> -> memref<!tpu.dma_semaphore, #tpu.memory_space<semaphore_mem>>
    %dma_start3A_188 = arith.constant 0 : i32
    %dma_start3A_189 = arith.constant 0 : i32
    %dma_start3A_190 = tpu.memref_slice %arg4[%add3A_175, %dma_start3A_188, %dma_start3A_189] : memref<6400x128x64xf32, #tpu.memory_space<hbm>> -> memref<1x128x64xf32, #tpu.memory_space<hbm>>
    %dma_start3A_191 = tpu.memref_squeeze %dma_start3A_190 : memref<1x128x64xf32, #tpu.memory_space<hbm>> -> memref<128x64xf32, #tpu.memory_space<hbm>>
    %dma_start3A_192 = arith.constant 0 : i32
    %dma_start3A_193 = arith.constant 0 : i32
    %dma_start3A_194 = tpu.memref_slice %arg6[%dma_start3A_176, %dma_start3A_192, %dma_start3A_193] : memref<5x128x128xf32, #tpu.memory_space<vmem>> -> memref<1x128x64xf32, #tpu.memory_space<vmem>>
    %dma_start3A_195 = tpu.memref_squeeze %dma_start3A_194 : memref<1x128x64xf32, #tpu.memory_space<vmem>> -> memref<128x64xf32, #tpu.memory_space<vmem>>
    tpu.enqueue_dma source(%dma_start3A_195 : memref<128x64xf32, #tpu.memory_space<vmem>>) target(%dma_start3A_191 : memref<128x64xf32, #tpu.memory_space<hbm>>) target_semaphore(%dma_start3A_187 : memref<!tpu.dma_semaphore, #tpu.memory_space<semaphore_mem>>)
    %dma_wait3A_196 = arith.constant 0 : i32
    %dma_wait3A_197 = arith.constant 0 : i32
    %dma_wait3A_198 = arith.constant 0 : i32
    %dma_wait3A_199 = arith.constant 0 : i32
    %dma_wait3A_200 = tpu.memref_slice %arg6[%dma_wait3A_196, %dma_wait3A_198, %dma_wait3A_199] : memref<5x128x128xf32, #tpu.memory_space<vmem>> -> memref<1x64x128xf32, #tpu.memory_space<vmem>>
    %dma_wait3A_201 = tpu.memref_squeeze %dma_wait3A_200 : memref<1x64x128xf32, #tpu.memory_space<vmem>> -> memref<64x128xf32, #tpu.memory_space<vmem>>
    %dma_wait3A_202 = arith.constant 0 : i32
    %dma_wait3A_203 = arith.constant 0 : i32
    %dma_wait3A_204 = tpu.memref_slice %arg3[%dma_wait3A_202, %dma_wait3A_203] : memref<1000000x128xf32, #tpu.memory_space<hbm>> -> memref<64x128xf32, #tpu.memory_space<hbm>>
    %dma_wait3A_205 = tpu.memref_slice %arg8[%dma_wait3A_197] : memref<5x!tpu.dma_semaphore, #tpu.memory_space<semaphore_mem>> -> memref<1x!tpu.dma_semaphore, #tpu.memory_space<semaphore_mem>>
    %dma_wait3A_206 = tpu.memref_squeeze %dma_wait3A_205 : memref<1x!tpu.dma_semaphore, #tpu.memory_space<semaphore_mem>> -> memref<!tpu.dma_semaphore, #tpu.memory_space<semaphore_mem>>
    %dma_wait3A_207 = arith.constant 0 : i32
    %dma_wait3A_208 = arith.constant 0 : i32
    %dma_wait3A_209 = tpu.memref_slice %arg6[%dma_wait3A_196, %dma_wait3A_207, %dma_wait3A_208] : memref<5x128x128xf32, #tpu.memory_space<vmem>> -> memref<1x64x128xf32, #tpu.memory_space<vmem>>
    %dma_wait3A_210 = tpu.memref_squeeze %dma_wait3A_209 : memref<1x64x128xf32, #tpu.memory_space<vmem>> -> memref<64x128xf32, #tpu.memory_space<vmem>>
    %dma_wait3A_211 = arith.constant 0 : i32
    %dma_wait3A_212 = arith.constant 0 : i32
    %dma_wait3A_213 = tpu.memref_slice %arg3[%dma_wait3A_211, %dma_wait3A_212] : memref<1000000x128xf32, #tpu.memory_space<hbm>> -> memref<64x128xf32, #tpu.memory_space<hbm>>
    tpu.wait_dma2 semaphore(%dma_wait3A_206 : memref<!tpu.dma_semaphore, #tpu.memory_space<semaphore_mem>>) src(%dma_wait3A_213 : memref<64x128xf32, #tpu.memory_space<hbm>>) dst(%dma_wait3A_210 : memref<64x128xf32, #tpu.memory_space<vmem>>)
    %dma_start3A_214 = arith.constant 5 : i32
    %dma_start3A_215 = arith.constant 0 : i32
    %dma_start3A_216 = arith.constant 0 : i32
    %dma_start3A_217 = arith.constant 0 : i32
    %dma_start3A_218 = arith.constant 0 : i32
    %dma_start3A_219 = tpu.memref_slice %arg6[%dma_start3A_215, %dma_start3A_217, %dma_start3A_218] : memref<5x128x128xf32, #tpu.memory_space<vmem>> -> memref<1x128x128xf32, #tpu.memory_space<vmem>>
    %dma_start3A_220 = tpu.memref_squeeze %dma_start3A_219 : memref<1x128x128xf32, #tpu.memory_space<vmem>> -> memref<128x128xf32, #tpu.memory_space<vmem>>
    %dma_start3A_221 = arith.constant 0 : i32
    %dma_start3A_222 = tpu.memref_slice %arg5[%dma_start3A_214, %dma_start3A_221] : memref<200x128xi32, #tpu.memory_space<vmem>> -> memref<1x128xi32, #tpu.memory_space<vmem>>
    %dma_start3A_223 = tpu.memref_squeeze %dma_start3A_222 : memref<1x128xi32, #tpu.memory_space<vmem>> -> memref<128xi32, #tpu.memory_space<vmem>>
    %dma_start3A_224 = arith.constant 0 : i32
    %dma_start3A_225 = arith.constant 0 : i32
    %dma_start3A_226 = tpu.memref_slice %arg3[%dma_start3A_224, %dma_start3A_225] : memref<1000000x128xf32, #tpu.memory_space<hbm>> -> memref<1000000x128xf32, #tpu.memory_space<hbm>>
    %dma_start3A_227 = tpu.memref_slice %arg7[%dma_start3A_216] : memref<5x!tpu.dma_semaphore, #tpu.memory_space<semaphore_mem>> -> memref<1x!tpu.dma_semaphore, #tpu.memory_space<semaphore_mem>>
    %dma_start3A_228 = tpu.memref_squeeze %dma_start3A_227 : memref<1x!tpu.dma_semaphore, #tpu.memory_space<semaphore_mem>> -> memref<!tpu.dma_semaphore, #tpu.memory_space<semaphore_mem>>
    tpu.enqueue_indirect_dma source(%dma_start3A_226 : memref<1000000x128xf32, #tpu.memory_space<hbm>>) target(%dma_start3A_220 : memref<128x128xf32, #tpu.memory_space<vmem>>) offsets(%dma_start3A_223 : memref<128xi32, #tpu.memory_space<vmem>>) semaphore(%dma_start3A_228 : memref<!tpu.dma_semaphore, #tpu.memory_space<semaphore_mem>>)
    %dma_wait3A_229 = arith.constant 3 : i32
    %dma_wait3A_230 = arith.constant 3 : i32
    %dma_wait3A_231 = arith.constant 0 : i32
    %dma_wait3A_232 = arith.constant 0 : i32
    %dma_wait3A_233 = tpu.memref_slice %arg6[%dma_wait3A_229, %dma_wait3A_231, %dma_wait3A_232] : memref<5x128x128xf32, #tpu.memory_space<vmem>> -> memref<1x128x128xf32, #tpu.memory_space<vmem>>
    %dma_wait3A_234 = tpu.memref_squeeze %dma_wait3A_233 : memref<1x128x128xf32, #tpu.memory_space<vmem>> -> memref<128x128xf32, #tpu.memory_space<vmem>>
    %dma_wait3A_235 = arith.constant 0 : i32
    %dma_wait3A_236 = arith.constant 0 : i32
    %dma_wait3A_237 = tpu.memref_slice %arg3[%dma_wait3A_235, %dma_wait3A_236] : memref<1000000x128xf32, #tpu.memory_space<hbm>> -> memref<128x128xf32, #tpu.memory_space<hbm>>
    %dma_wait3A_238 = tpu.memref_slice %arg7[%dma_wait3A_230] : memref<5x!tpu.dma_semaphore, #tpu.memory_space<semaphore_mem>> -> memref<1x!tpu.dma_semaphore, #tpu.memory_space<semaphore_mem>>
    %dma_wait3A_239 = tpu.memref_squeeze %dma_wait3A_238 : memref<1x!tpu.dma_semaphore, #tpu.memory_space<semaphore_mem>> -> memref<!tpu.dma_semaphore, #tpu.memory_space<semaphore_mem>>
    %dma_wait3A_240 = arith.constant 0 : i32
    %dma_wait3A_241 = arith.constant 0 : i32
    %dma_wait3A_242 = tpu.memref_slice %arg6[%dma_wait3A_229, %dma_wait3A_240, %dma_wait3A_241] : memref<5x128x128xf32, #tpu.memory_space<vmem>> -> memref<1x128x128xf32, #tpu.memory_space<vmem>>
    %dma_wait3A_243 = tpu.memref_squeeze %dma_wait3A_242 : memref<1x128x128xf32, #tpu.memory_space<vmem>> -> memref<128x128xf32, #tpu.memory_space<vmem>>
    %dma_wait3A_244 = arith.constant 0 : i32
    %dma_wait3A_245 = arith.constant 0 : i32
    %dma_wait3A_246 = tpu.memref_slice %arg3[%dma_wait3A_244, %dma_wait3A_245] : memref<1000000x128xf32, #tpu.memory_space<hbm>> -> memref<128x128xf32, #tpu.memory_space<hbm>>
    tpu.wait_dma2 semaphore(%dma_wait3A_239 : memref<!tpu.dma_semaphore, #tpu.memory_space<semaphore_mem>>) src(%dma_wait3A_246 : memref<128x128xf32, #tpu.memory_space<hbm>>) dst(%dma_wait3A_243 : memref<128x128xf32, #tpu.memory_space<vmem>>)
    %add3A_247 = arith.constant 3 : i32
    %add3A_248 = arith.addi %mul3A_2, %add3A_247 : i32
    %dma_start3A_249 = arith.constant 3 : i32
    %dma_start3A_250 = arith.constant 3 : i32
    %dma_start3A_251 = arith.constant 0 : i32
    %dma_start3A_252 = arith.constant 0 : i32
    %dma_start3A_253 = tpu.memref_slice %arg6[%dma_start3A_249, %dma_start3A_251, %dma_start3A_252] : memref<5x128x128xf32, #tpu.memory_space<vmem>> -> memref<1x128x64xf32, #tpu.memory_space<vmem>>
    %dma_start3A_254 = tpu.memref_squeeze %dma_start3A_253 : memref<1x128x64xf32, #tpu.memory_space<vmem>> -> memref<128x64xf32, #tpu.memory_space<vmem>>
    %dma_start3A_255 = arith.constant 0 : i32
    %dma_start3A_256 = arith.constant 0 : i32
    %dma_start3A_257 = tpu.memref_slice %arg4[%add3A_248, %dma_start3A_255, %dma_start3A_256] : memref<6400x128x64xf32, #tpu.memory_space<hbm>> -> memref<1x128x64xf32, #tpu.memory_space<hbm>>
    %dma_start3A_258 = tpu.memref_squeeze %dma_start3A_257 : memref<1x128x64xf32, #tpu.memory_space<hbm>> -> memref<128x64xf32, #tpu.memory_space<hbm>>
    %dma_start3A_259 = tpu.memref_slice %arg8[%dma_start3A_250] : memref<5x!tpu.dma_semaphore, #tpu.memory_space<semaphore_mem>> -> memref<1x!tpu.dma_semaphore, #tpu.memory_space<semaphore_mem>>
    %dma_start3A_260 = tpu.memref_squeeze %dma_start3A_259 : memref<1x!tpu.dma_semaphore, #tpu.memory_space<semaphore_mem>> -> memref<!tpu.dma_semaphore, #tpu.memory_space<semaphore_mem>>
    %dma_start3A_261 = arith.constant 0 : i32
    %dma_start3A_262 = arith.constant 0 : i32
    %dma_start3A_263 = tpu.memref_slice %arg4[%add3A_248, %dma_start3A_261, %dma_start3A_262] : memref<6400x128x64xf32, #tpu.memory_space<hbm>> -> memref<1x128x64xf32, #tpu.memory_space<hbm>>
    %dma_start3A_264 = tpu.memref_squeeze %dma_start3A_263 : memref<1x128x64xf32, #tpu.memory_space<hbm>> -> memref<128x64xf32, #tpu.memory_space<hbm>>
    %dma_start3A_265 = arith.constant 0 : i32
    %dma_start3A_266 = arith.constant 0 : i32
    %dma_start3A_267 = tpu.memref_slice %arg6[%dma_start3A_249, %dma_start3A_265, %dma_start3A_266] : memref<5x128x128xf32, #tpu.memory_space<vmem>> -> memref<1x128x64xf32, #tpu.memory_space<vmem>>
    %dma_start3A_268 = tpu.memref_squeeze %dma_start3A_267 : memref<1x128x64xf32, #tpu.memory_space<vmem>> -> memref<128x64xf32, #tpu.memory_space<vmem>>
    tpu.enqueue_dma source(%dma_start3A_268 : memref<128x64xf32, #tpu.memory_space<vmem>>) target(%dma_start3A_264 : memref<128x64xf32, #tpu.memory_space<hbm>>) target_semaphore(%dma_start3A_260 : memref<!tpu.dma_semaphore, #tpu.memory_space<semaphore_mem>>)
    %dma_wait3A_269 = arith.constant 1 : i32
    %dma_wait3A_270 = arith.constant 1 : i32
    %dma_wait3A_271 = arith.constant 0 : i32
    %dma_wait3A_272 = arith.constant 0 : i32
    %dma_wait3A_273 = tpu.memref_slice %arg6[%dma_wait3A_269, %dma_wait3A_271, %dma_wait3A_272] : memref<5x128x128xf32, #tpu.memory_space<vmem>> -> memref<1x64x128xf32, #tpu.memory_space<vmem>>
    %dma_wait3A_274 = tpu.memref_squeeze %dma_wait3A_273 : memref<1x64x128xf32, #tpu.memory_space<vmem>> -> memref<64x128xf32, #tpu.memory_space<vmem>>
    %dma_wait3A_275 = arith.constant 0 : i32
    %dma_wait3A_276 = arith.constant 0 : i32
    %dma_wait3A_277 = tpu.memref_slice %arg3[%dma_wait3A_275, %dma_wait3A_276] : memref<1000000x128xf32, #tpu.memory_space<hbm>> -> memref<64x128xf32, #tpu.memory_space<hbm>>
    %dma_wait3A_278 = tpu.memref_slice %arg8[%dma_wait3A_270] : memref<5x!tpu.dma_semaphore, #tpu.memory_space<semaphore_mem>> -> memref<1x!tpu.dma_semaphore, #tpu.memory_space<semaphore_mem>>
    %dma_wait3A_279 = tpu.memref_squeeze %dma_wait3A_278 : memref<1x!tpu.dma_semaphore, #tpu.memory_space<semaphore_mem>> -> memref<!tpu.dma_semaphore, #tpu.memory_space<semaphore_mem>>
    %dma_wait3A_280 = arith.constant 0 : i32
    %dma_wait3A_281 = arith.constant 0 : i32
    %dma_wait3A_282 = tpu.memref_slice %arg6[%dma_wait3A_269, %dma_wait3A_280, %dma_wait3A_281] : memref<5x128x128xf32, #tpu.memory_space<vmem>> -> memref<1x64x128xf32, #tpu.memory_space<vmem>>
    %dma_wait3A_283 = tpu.memref_squeeze %dma_wait3A_282 : memref<1x64x128xf32, #tpu.memory_space<vmem>> -> memref<64x128xf32, #tpu.memory_space<vmem>>
    %dma_wait3A_284 = arith.constant 0 : i32
    %dma_wait3A_285 = arith.constant 0 : i32
    %dma_wait3A_286 = tpu.memref_slice %arg3[%dma_wait3A_284, %dma_wait3A_285] : memref<1000000x128xf32, #tpu.memory_space<hbm>> -> memref<64x128xf32, #tpu.memory_space<hbm>>
    tpu.wait_dma2 semaphore(%dma_wait3A_279 : memref<!tpu.dma_semaphore, #tpu.memory_space<semaphore_mem>>) src(%dma_wait3A_286 : memref<64x128xf32, #tpu.memory_space<hbm>>) dst(%dma_wait3A_283 : memref<64x128xf32, #tpu.memory_space<vmem>>)
    %dma_start3A_287 = arith.constant 6 : i32
    %dma_start3A_288 = arith.constant 1 : i32
    %dma_start3A_289 = arith.constant 1 : i32
    %dma_start3A_290 = arith.constant 0 : i32
    %dma_start3A_291 = arith.constant 0 : i32
    %dma_start3A_292 = tpu.memref_slice %arg6[%dma_start3A_288, %dma_start3A_290, %dma_start3A_291] : memref<5x128x128xf32, #tpu.memory_space<vmem>> -> memref<1x128x128xf32, #tpu.memory_space<vmem>>
    %dma_start3A_293 = tpu.memref_squeeze %dma_start3A_292 : memref<1x128x128xf32, #tpu.memory_space<vmem>> -> memref<128x128xf32, #tpu.memory_space<vmem>>
    %dma_start3A_294 = arith.constant 0 : i32
    %dma_start3A_295 = tpu.memref_slice %arg5[%dma_start3A_287, %dma_start3A_294] : memref<200x128xi32, #tpu.memory_space<vmem>> -> memref<1x128xi32, #tpu.memory_space<vmem>>
    %dma_start3A_296 = tpu.memref_squeeze %dma_start3A_295 : memref<1x128xi32, #tpu.memory_space<vmem>> -> memref<128xi32, #tpu.memory_space<vmem>>
    %dma_start3A_297 = arith.constant 0 : i32
    %dma_start3A_298 = arith.constant 0 : i32
    %dma_start3A_299 = tpu.memref_slice %arg3[%dma_start3A_297, %dma_start3A_298] : memref<1000000x128xf32, #tpu.memory_space<hbm>> -> memref<1000000x128xf32, #tpu.memory_space<hbm>>
    %dma_start3A_300 = tpu.memref_slice %arg7[%dma_start3A_289] : memref<5x!tpu.dma_semaphore, #tpu.memory_space<semaphore_mem>> -> memref<1x!tpu.dma_semaphore, #tpu.memory_space<semaphore_mem>>
    %dma_start3A_301 = tpu.memref_squeeze %dma_start3A_300 : memref<1x!tpu.dma_semaphore, #tpu.memory_space<semaphore_mem>> -> memref<!tpu.dma_semaphore, #tpu.memory_space<semaphore_mem>>
    tpu.enqueue_indirect_dma source(%dma_start3A_299 : memref<1000000x128xf32, #tpu.memory_space<hbm>>) target(%dma_start3A_293 : memref<128x128xf32, #tpu.memory_space<vmem>>) offsets(%dma_start3A_296 : memref<128xi32, #tpu.memory_space<vmem>>) semaphore(%dma_start3A_301 : memref<!tpu.dma_semaphore, #tpu.memory_space<semaphore_mem>>)
    %dma_wait3A_302 = arith.constant 4 : i32
    %dma_wait3A_303 = arith.constant 4 : i32
    %dma_wait3A_304 = arith.constant 0 : i32
    %dma_wait3A_305 = arith.constant 0 : i32
    %dma_wait3A_306 = tpu.memref_slice %arg6[%dma_wait3A_302, %dma_wait3A_304, %dma_wait3A_305] : memref<5x128x128xf32, #tpu.memory_space<vmem>> -> memref<1x128x128xf32, #tpu.memory_space<vmem>>
    %dma_wait3A_307 = tpu.memref_squeeze %dma_wait3A_306 : memref<1x128x128xf32, #tpu.memory_space<vmem>> -> memref<128x128xf32, #tpu.memory_space<vmem>>
    %dma_wait3A_308 = arith.constant 0 : i32
    %dma_wait3A_309 = arith.constant 0 : i32
    %dma_wait3A_310 = tpu.memref_slice %arg3[%dma_wait3A_308, %dma_wait3A_309] : memref<1000000x128xf32, #tpu.memory_space<hbm>> -> memref<128x128xf32, #tpu.memory_space<hbm>>
    %dma_wait3A_311 = tpu.memref_slice %arg7[%dma_wait3A_303] : memref<5x!tpu.dma_semaphore, #tpu.memory_space<semaphore_mem>> -> memref<1x!tpu.dma_semaphore, #tpu.memory_space<semaphore_mem>>
    %dma_wait3A_312 = tpu.memref_squeeze %dma_wait3A_311 : memref<1x!tpu.dma_semaphore, #tpu.memory_space<semaphore_mem>> -> memref<!tpu.dma_semaphore, #tpu.memory_space<semaphore_mem>>
    %dma_wait3A_313 = arith.constant 0 : i32
    %dma_wait3A_314 = arith.constant 0 : i32
    %dma_wait3A_315 = tpu.memref_slice %arg6[%dma_wait3A_302, %dma_wait3A_313, %dma_wait3A_314] : memref<5x128x128xf32, #tpu.memory_space<vmem>> -> memref<1x128x128xf32, #tpu.memory_space<vmem>>
    %dma_wait3A_316 = tpu.memref_squeeze %dma_wait3A_315 : memref<1x128x128xf32, #tpu.memory_space<vmem>> -> memref<128x128xf32, #tpu.memory_space<vmem>>
    %dma_wait3A_317 = arith.constant 0 : i32
    %dma_wait3A_318 = arith.constant 0 : i32
    %dma_wait3A_319 = tpu.memref_slice %arg3[%dma_wait3A_317, %dma_wait3A_318] : memref<1000000x128xf32, #tpu.memory_space<hbm>> -> memref<128x128xf32, #tpu.memory_space<hbm>>
    tpu.wait_dma2 semaphore(%dma_wait3A_312 : memref<!tpu.dma_semaphore, #tpu.memory_space<semaphore_mem>>) src(%dma_wait3A_319 : memref<128x128xf32, #tpu.memory_space<hbm>>) dst(%dma_wait3A_316 : memref<128x128xf32, #tpu.memory_space<vmem>>)
    %add3A_320 = arith.constant 4 : i32
    %add3A_321 = arith.addi %mul3A_2, %add3A_320 : i32
    %dma_start3A_322 = arith.constant 4 : i32
    %dma_start3A_323 = arith.constant 4 : i32
    %dma_start3A_324 = arith.constant 0 : i32
    %dma_start3A_325 = arith.constant 0 : i32
    %dma_start3A_326 = tpu.memref_slice %arg6[%dma_start3A_322, %dma_start3A_324, %dma_start3A_325] : memref<5x128x128xf32, #tpu.memory_space<vmem>> -> memref<1x128x64xf32, #tpu.memory_space<vmem>>
    %dma_start3A_327 = tpu.memref_squeeze %dma_start3A_326 : memref<1x128x64xf32, #tpu.memory_space<vmem>> -> memref<128x64xf32, #tpu.memory_space<vmem>>
    %dma_start3A_328 = arith.constant 0 : i32
    %dma_start3A_329 = arith.constant 0 : i32
    %dma_start3A_330 = tpu.memref_slice %arg4[%add3A_321, %dma_start3A_328, %dma_start3A_329] : memref<6400x128x64xf32, #tpu.memory_space<hbm>> -> memref<1x128x64xf32, #tpu.memory_space<hbm>>
    %dma_start3A_331 = tpu.memref_squeeze %dma_start3A_330 : memref<1x128x64xf32, #tpu.memory_space<hbm>> -> memref<128x64xf32, #tpu.memory_space<hbm>>
    %dma_start3A_332 = tpu.memref_slice %arg8[%dma_start3A_323] : memref<5x!tpu.dma_semaphore, #tpu.memory_space<semaphore_mem>> -> memref<1x!tpu.dma_semaphore, #tpu.memory_space<semaphore_mem>>
    %dma_start3A_333 = tpu.memref_squeeze %dma_start3A_332 : memref<1x!tpu.dma_semaphore, #tpu.memory_space<semaphore_mem>> -> memref<!tpu.dma_semaphore, #tpu.memory_space<semaphore_mem>>
    %dma_start3A_334 = arith.constant 0 : i32
    %dma_start3A_335 = arith.constant 0 : i32
    %dma_start3A_336 = tpu.memref_slice %arg4[%add3A_321, %dma_start3A_334, %dma_start3A_335] : memref<6400x128x64xf32, #tpu.memory_space<hbm>> -> memref<1x128x64xf32, #tpu.memory_space<hbm>>
    %dma_start3A_337 = tpu.memref_squeeze %dma_start3A_336 : memref<1x128x64xf32, #tpu.memory_space<hbm>> -> memref<128x64xf32, #tpu.memory_space<hbm>>
    %dma_start3A_338 = arith.constant 0 : i32
    %dma_start3A_339 = arith.constant 0 : i32
    %dma_start3A_340 = tpu.memref_slice %arg6[%dma_start3A_322, %dma_start3A_338, %dma_start3A_339] : memref<5x128x128xf32, #tpu.memory_space<vmem>> -> memref<1x128x64xf32, #tpu.memory_space<vmem>>
    %dma_start3A_341 = tpu.memref_squeeze %dma_start3A_340 : memref<1x128x64xf32, #tpu.memory_space<vmem>> -> memref<128x64xf32, #tpu.memory_space<vmem>>
    tpu.enqueue_dma source(%dma_start3A_341 : memref<128x64xf32, #tpu.memory_space<vmem>>) target(%dma_start3A_337 : memref<128x64xf32, #tpu.memory_space<hbm>>) target_semaphore(%dma_start3A_333 : memref<!tpu.dma_semaphore, #tpu.memory_space<semaphore_mem>>)
    %dma_wait3A_342 = arith.constant 2 : i32
    %dma_wait3A_343 = arith.constant 2 : i32
    %dma_wait3A_344 = arith.constant 0 : i32
    %dma_wait3A_345 = arith.constant 0 : i32
    %dma_wait3A_346 = tpu.memref_slice %arg6[%dma_wait3A_342, %dma_wait3A_344, %dma_wait3A_345] : memref<5x128x128xf32, #tpu.memory_space<vmem>> -> memref<1x64x128xf32, #tpu.memory_space<vmem>>
    %dma_wait3A_347 = tpu.memref_squeeze %dma_wait3A_346 : memref<1x64x128xf32, #tpu.memory_space<vmem>> -> memref<64x128xf32, #tpu.memory_space<vmem>>
    %dma_wait3A_348 = arith.constant 0 : i32
    %dma_wait3A_349 = arith.constant 0 : i32
    %dma_wait3A_350 = tpu.memref_slice %arg3[%dma_wait3A_348, %dma_wait3A_349] : memref<1000000x128xf32, #tpu.memory_space<hbm>> -> memref<64x128xf32, #tpu.memory_space<hbm>>
    %dma_wait3A_351 = tpu.memref_slice %arg8[%dma_wait3A_343] : memref<5x!tpu.dma_semaphore, #tpu.memory_space<semaphore_mem>> -> memref<1x!tpu.dma_semaphore, #tpu.memory_space<semaphore_mem>>
    %dma_wait3A_352 = tpu.memref_squeeze %dma_wait3A_351 : memref<1x!tpu.dma_semaphore, #tpu.memory_space<semaphore_mem>> -> memref<!tpu.dma_semaphore, #tpu.memory_space<semaphore_mem>>
    %dma_wait3A_353 = arith.constant 0 : i32
    %dma_wait3A_354 = arith.constant 0 : i32
    %dma_wait3A_355 = tpu.memref_slice %arg6[%dma_wait3A_342, %dma_wait3A_353, %dma_wait3A_354] : memref<5x128x128xf32, #tpu.memory_space<vmem>> -> memref<1x64x128xf32, #tpu.memory_space<vmem>>
    %dma_wait3A_356 = tpu.memref_squeeze %dma_wait3A_355 : memref<1x64x128xf32, #tpu.memory_space<vmem>> -> memref<64x128xf32, #tpu.memory_space<vmem>>
    %dma_wait3A_357 = arith.constant 0 : i32
    %dma_wait3A_358 = arith.constant 0 : i32
    %dma_wait3A_359 = tpu.memref_slice %arg3[%dma_wait3A_357, %dma_wait3A_358] : memref<1000000x128xf32, #tpu.memory_space<hbm>> -> memref<64x128xf32, #tpu.memory_space<hbm>>
    tpu.wait_dma2 semaphore(%dma_wait3A_352 : memref<!tpu.dma_semaphore, #tpu.memory_space<semaphore_mem>>) src(%dma_wait3A_359 : memref<64x128xf32, #tpu.memory_space<hbm>>) dst(%dma_wait3A_356 : memref<64x128xf32, #tpu.memory_space<vmem>>)
    %dma_start3A_360 = arith.constant 7 : i32
    %dma_start3A_361 = arith.constant 2 : i32
    %dma_start3A_362 = arith.constant 2 : i32
    %dma_start3A_363 = arith.constant 0 : i32
    %dma_start3A_364 = arith.constant 0 : i32
    %dma_start3A_365 = tpu.memref_slice %arg6[%dma_start3A_361, %dma_start3A_363, %dma_start3A_364] : memref<5x128x128xf32, #tpu.memory_space<vmem>> -> memref<1x128x128xf32, #tpu.memory_space<vmem>>
    %dma_start3A_366 = tpu.memref_squeeze %dma_start3A_365 : memref<1x128x128xf32, #tpu.memory_space<vmem>> -> memref<128x128xf32, #tpu.memory_space<vmem>>
    %dma_start3A_367 = arith.constant 0 : i32
    %dma_start3A_368 = tpu.memref_slice %arg5[%dma_start3A_360, %dma_start3A_367] : memref<200x128xi32, #tpu.memory_space<vmem>> -> memref<1x128xi32, #tpu.memory_space<vmem>>
    %dma_start3A_369 = tpu.memref_squeeze %dma_start3A_368 : memref<1x128xi32, #tpu.memory_space<vmem>> -> memref<128xi32, #tpu.memory_space<vmem>>
    %dma_start3A_370 = arith.constant 0 : i32
    %dma_start3A_371 = arith.constant 0 : i32
    %dma_start3A_372 = tpu.memref_slice %arg3[%dma_start3A_370, %dma_start3A_371] : memref<1000000x128xf32, #tpu.memory_space<hbm>> -> memref<1000000x128xf32, #tpu.memory_space<hbm>>
    %dma_start3A_373 = tpu.memref_slice %arg7[%dma_start3A_362] : memref<5x!tpu.dma_semaphore, #tpu.memory_space<semaphore_mem>> -> memref<1x!tpu.dma_semaphore, #tpu.memory_space<semaphore_mem>>
    %dma_start3A_374 = tpu.memref_squeeze %dma_start3A_373 : memref<1x!tpu.dma_semaphore, #tpu.memory_space<semaphore_mem>> -> memref<!tpu.dma_semaphore, #tpu.memory_space<semaphore_mem>>
    tpu.enqueue_indirect_dma source(%dma_start3A_372 : memref<1000000x128xf32, #tpu.memory_space<hbm>>) target(%dma_start3A_366 : memref<128x128xf32, #tpu.memory_space<vmem>>) offsets(%dma_start3A_369 : memref<128xi32, #tpu.memory_space<vmem>>) semaphore(%dma_start3A_374 : memref<!tpu.dma_semaphore, #tpu.memory_space<semaphore_mem>>)
    %scan3A = arith.constant 0 : i32
    %scan3A_375 = arith.constant 1 : i32
    %scan3A_376 = arith.constant 38 : i32
    %scan3A_377 = arith.addi %scan3A_375, %scan3A_376 : i32
    %scan3A_378 = arith.constant 1 : i32
    %scan3A_379 = scf.for %scan3A_737 = %scan3A_375 to %scan3A_377 step %scan3A_378 iter_args(%scan3A_738 = %scan3A) -> (i32)  : i32 {
      %mul3A_739 = arith.constant 5 : i32
      %mul3A_740 = arith.muli %scan3A_737, %mul3A_739 : i32
      %add3A_741 = arith.constant 0 : i32
      %add3A_742 = arith.addi %mul3A_740, %add3A_741 : i32
      %dma_wait3A_743 = arith.constant 0 : i32
      %dma_wait3A_744 = arith.constant 0 : i32
      %dma_wait3A_745 = arith.constant 0 : i32
      %dma_wait3A_746 = arith.constant 0 : i32
      %dma_wait3A_747 = tpu.memref_slice %arg6[%dma_wait3A_743, %dma_wait3A_745, %dma_wait3A_746] : memref<5x128x128xf32, #tpu.memory_space<vmem>> -> memref<1x128x128xf32, #tpu.memory_space<vmem>>
      %dma_wait3A_748 = tpu.memref_squeeze %dma_wait3A_747 : memref<1x128x128xf32, #tpu.memory_space<vmem>> -> memref<128x128xf32, #tpu.memory_space<vmem>>
      %dma_wait3A_749 = arith.constant 0 : i32
      %dma_wait3A_750 = arith.constant 0 : i32
      %dma_wait3A_751 = tpu.memref_slice %arg3[%dma_wait3A_749, %dma_wait3A_750] : memref<1000000x128xf32, #tpu.memory_space<hbm>> -> memref<128x128xf32, #tpu.memory_space<hbm>>
      %dma_wait3A_752 = tpu.memref_slice %arg7[%dma_wait3A_744] : memref<5x!tpu.dma_semaphore, #tpu.memory_space<semaphore_mem>> -> memref<1x!tpu.dma_semaphore, #tpu.memory_space<semaphore_mem>>
      %dma_wait3A_753 = tpu.memref_squeeze %dma_wait3A_752 : memref<1x!tpu.dma_semaphore, #tpu.memory_space<semaphore_mem>> -> memref<!tpu.dma_semaphore, #tpu.memory_space<semaphore_mem>>
      %dma_wait3A_754 = arith.constant 0 : i32
      %dma_wait3A_755 = arith.constant 0 : i32
      %dma_wait3A_756 = tpu.memref_slice %arg6[%dma_wait3A_743, %dma_wait3A_754, %dma_wait3A_755] : memref<5x128x128xf32, #tpu.memory_space<vmem>> -> memref<1x128x128xf32, #tpu.memory_space<vmem>>
      %dma_wait3A_757 = tpu.memref_squeeze %dma_wait3A_756 : memref<1x128x128xf32, #tpu.memory_space<vmem>> -> memref<128x128xf32, #tpu.memory_space<vmem>>
      %dma_wait3A_758 = arith.constant 0 : i32
      %dma_wait3A_759 = arith.constant 0 : i32
      %dma_wait3A_760 = tpu.memref_slice %arg3[%dma_wait3A_758, %dma_wait3A_759] : memref<1000000x128xf32, #tpu.memory_space<hbm>> -> memref<128x128xf32, #tpu.memory_space<hbm>>
      tpu.wait_dma2 semaphore(%dma_wait3A_753 : memref<!tpu.dma_semaphore, #tpu.memory_space<semaphore_mem>>) src(%dma_wait3A_760 : memref<128x128xf32, #tpu.memory_space<hbm>>) dst(%dma_wait3A_757 : memref<128x128xf32, #tpu.memory_space<vmem>>)
      %add3A_761 = arith.addi %mul3A_2, %add3A_742 : i32
      %dma_start3A_762 = arith.constant 0 : i32
      %dma_start3A_763 = arith.constant 0 : i32
      %dma_start3A_764 = arith.constant 0 : i32
      %dma_start3A_765 = arith.constant 0 : i32
      %dma_start3A_766 = tpu.memref_slice %arg6[%dma_start3A_762, %dma_start3A_764, %dma_start3A_765] : memref<5x128x128xf32, #tpu.memory_space<vmem>> -> memref<1x128x64xf32, #tpu.memory_space<vmem>>
      %dma_start3A_767 = tpu.memref_squeeze %dma_start3A_766 : memref<1x128x64xf32, #tpu.memory_space<vmem>> -> memref<128x64xf32, #tpu.memory_space<vmem>>
      %dma_start3A_768 = arith.constant 0 : i32
      %dma_start3A_769 = arith.constant 0 : i32
      %dma_start3A_770 = tpu.memref_slice %arg4[%add3A_761, %dma_start3A_768, %dma_start3A_769] : memref<6400x128x64xf32, #tpu.memory_space<hbm>> -> memref<1x128x64xf32, #tpu.memory_space<hbm>>
      %dma_start3A_771 = tpu.memref_squeeze %dma_start3A_770 : memref<1x128x64xf32, #tpu.memory_space<hbm>> -> memref<128x64xf32, #tpu.memory_space<hbm>>
      %dma_start3A_772 = tpu.memref_slice %arg8[%dma_start3A_763] : memref<5x!tpu.dma_semaphore, #tpu.memory_space<semaphore_mem>> -> memref<1x!tpu.dma_semaphore, #tpu.memory_space<semaphore_mem>>
      %dma_start3A_773 = tpu.memref_squeeze %dma_start3A_772 : memref<1x!tpu.dma_semaphore, #tpu.memory_space<semaphore_mem>> -> memref<!tpu.dma_semaphore, #tpu.memory_space<semaphore_mem>>
      %dma_start3A_774 = arith.constant 0 : i32
      %dma_start3A_775 = arith.constant 0 : i32
      %dma_start3A_776 = tpu.memref_slice %arg4[%add3A_761, %dma_start3A_774, %dma_start3A_775] : memref<6400x128x64xf32, #tpu.memory_space<hbm>> -> memref<1x128x64xf32, #tpu.memory_space<hbm>>
      %dma_start3A_777 = tpu.memref_squeeze %dma_start3A_776 : memref<1x128x64xf32, #tpu.memory_space<hbm>> -> memref<128x64xf32, #tpu.memory_space<hbm>>
      %dma_start3A_778 = arith.constant 0 : i32
      %dma_start3A_779 = arith.constant 0 : i32
      %dma_start3A_780 = tpu.memref_slice %arg6[%dma_start3A_762, %dma_start3A_778, %dma_start3A_779] : memref<5x128x128xf32, #tpu.memory_space<vmem>> -> memref<1x128x64xf32, #tpu.memory_space<vmem>>
      %dma_start3A_781 = tpu.memref_squeeze %dma_start3A_780 : memref<1x128x64xf32, #tpu.memory_space<vmem>> -> memref<128x64xf32, #tpu.memory_space<vmem>>
      tpu.enqueue_dma source(%dma_start3A_781 : memref<128x64xf32, #tpu.memory_space<vmem>>) target(%dma_start3A_777 : memref<128x64xf32, #tpu.memory_space<hbm>>) target_semaphore(%dma_start3A_773 : memref<!tpu.dma_semaphore, #tpu.memory_space<semaphore_mem>>)
      %dma_wait3A_782 = arith.constant 3 : i32
      %dma_wait3A_783 = arith.constant 3 : i32
      %dma_wait3A_784 = arith.constant 0 : i32
      %dma_wait3A_785 = arith.constant 0 : i32
      %dma_wait3A_786 = tpu.memref_slice %arg6[%dma_wait3A_782, %dma_wait3A_784, %dma_wait3A_785] : memref<5x128x128xf32, #tpu.memory_space<vmem>> -> memref<1x64x128xf32, #tpu.memory_space<vmem>>
      %dma_wait3A_787 = tpu.memref_squeeze %dma_wait3A_786 : memref<1x64x128xf32, #tpu.memory_space<vmem>> -> memref<64x128xf32, #tpu.memory_space<vmem>>
      %dma_wait3A_788 = arith.constant 0 : i32
      %dma_wait3A_789 = arith.constant 0 : i32
      %dma_wait3A_790 = tpu.memref_slice %arg3[%dma_wait3A_788, %dma_wait3A_789] : memref<1000000x128xf32, #tpu.memory_space<hbm>> -> memref<64x128xf32, #tpu.memory_space<hbm>>
      %dma_wait3A_791 = tpu.memref_slice %arg8[%dma_wait3A_783] : memref<5x!tpu.dma_semaphore, #tpu.memory_space<semaphore_mem>> -> memref<1x!tpu.dma_semaphore, #tpu.memory_space<semaphore_mem>>
      %dma_wait3A_792 = tpu.memref_squeeze %dma_wait3A_791 : memref<1x!tpu.dma_semaphore, #tpu.memory_space<semaphore_mem>> -> memref<!tpu.dma_semaphore, #tpu.memory_space<semaphore_mem>>
      %dma_wait3A_793 = arith.constant 0 : i32
      %dma_wait3A_794 = arith.constant 0 : i32
      %dma_wait3A_795 = tpu.memref_slice %arg6[%dma_wait3A_782, %dma_wait3A_793, %dma_wait3A_794] : memref<5x128x128xf32, #tpu.memory_space<vmem>> -> memref<1x64x128xf32, #tpu.memory_space<vmem>>
      %dma_wait3A_796 = tpu.memref_squeeze %dma_wait3A_795 : memref<1x64x128xf32, #tpu.memory_space<vmem>> -> memref<64x128xf32, #tpu.memory_space<vmem>>
      %dma_wait3A_797 = arith.constant 0 : i32
      %dma_wait3A_798 = arith.constant 0 : i32
      %dma_wait3A_799 = tpu.memref_slice %arg3[%dma_wait3A_797, %dma_wait3A_798] : memref<1000000x128xf32, #tpu.memory_space<hbm>> -> memref<64x128xf32, #tpu.memory_space<hbm>>
      tpu.wait_dma2 semaphore(%dma_wait3A_792 : memref<!tpu.dma_semaphore, #tpu.memory_space<semaphore_mem>>) src(%dma_wait3A_799 : memref<64x128xf32, #tpu.memory_space<hbm>>) dst(%dma_wait3A_796 : memref<64x128xf32, #tpu.memory_space<vmem>>)
      %sub3A = arith.constant 2 : i32
      %sub3A_800 = arith.subi %add3A_742, %sub3A : i32
      %add3A_801 = arith.constant 5 : i32
      %add3A_802 = arith.addi %sub3A_800, %add3A_801 : i32
      %dma_start3A_803 = arith.constant 3 : i32
      %dma_start3A_804 = arith.constant 3 : i32
      %dma_start3A_805 = arith.constant 0 : i32
      %dma_start3A_806 = arith.constant 0 : i32
      %dma_start3A_807 = tpu.memref_slice %arg6[%dma_start3A_803, %dma_start3A_805, %dma_start3A_806] : memref<5x128x128xf32, #tpu.memory_space<vmem>> -> memref<1x128x128xf32, #tpu.memory_space<vmem>>
      %dma_start3A_808 = tpu.memref_squeeze %dma_start3A_807 : memref<1x128x128xf32, #tpu.memory_space<vmem>> -> memref<128x128xf32, #tpu.memory_space<vmem>>
      %dma_start3A_809 = arith.constant 0 : i32
      %dma_start3A_810 = tpu.memref_slice %arg5[%add3A_802, %dma_start3A_809] : memref<200x128xi32, #tpu.memory_space<vmem>> -> memref<1x128xi32, #tpu.memory_space<vmem>>
      %dma_start3A_811 = tpu.memref_squeeze %dma_start3A_810 : memref<1x128xi32, #tpu.memory_space<vmem>> -> memref<128xi32, #tpu.memory_space<vmem>>
      %dma_start3A_812 = arith.constant 0 : i32
      %dma_start3A_813 = arith.constant 0 : i32
      %dma_start3A_814 = tpu.memref_slice %arg3[%dma_start3A_812, %dma_start3A_813] : memref<1000000x128xf32, #tpu.memory_space<hbm>> -> memref<1000000x128xf32, #tpu.memory_space<hbm>>
      %dma_start3A_815 = tpu.memref_slice %arg7[%dma_start3A_804] : memref<5x!tpu.dma_semaphore, #tpu.memory_space<semaphore_mem>> -> memref<1x!tpu.dma_semaphore, #tpu.memory_space<semaphore_mem>>
      %dma_start3A_816 = tpu.memref_squeeze %dma_start3A_815 : memref<1x!tpu.dma_semaphore, #tpu.memory_space<semaphore_mem>> -> memref<!tpu.dma_semaphore, #tpu.memory_space<semaphore_mem>>
      tpu.enqueue_indirect_dma source(%dma_start3A_814 : memref<1000000x128xf32, #tpu.memory_space<hbm>>) target(%dma_start3A_808 : memref<128x128xf32, #tpu.memory_space<vmem>>) offsets(%dma_start3A_811 : memref<128xi32, #tpu.memory_space<vmem>>) semaphore(%dma_start3A_816 : memref<!tpu.dma_semaphore, #tpu.memory_space<semaphore_mem>>)
      %mul3A_817 = arith.constant 5 : i32
      %mul3A_818 = arith.muli %scan3A_737, %mul3A_817 : i32
      %add3A_819 = arith.constant 1 : i32
      %add3A_820 = arith.addi %mul3A_818, %add3A_819 : i32
      %dma_wait3A_821 = arith.constant 1 : i32
      %dma_wait3A_822 = arith.constant 1 : i32
      %dma_wait3A_823 = arith.constant 0 : i32
      %dma_wait3A_824 = arith.constant 0 : i32
      %dma_wait3A_825 = tpu.memref_slice %arg6[%dma_wait3A_821, %dma_wait3A_823, %dma_wait3A_824] : memref<5x128x128xf32, #tpu.memory_space<vmem>> -> memref<1x128x128xf32, #tpu.memory_space<vmem>>
      %dma_wait3A_826 = tpu.memref_squeeze %dma_wait3A_825 : memref<1x128x128xf32, #tpu.memory_space<vmem>> -> memref<128x128xf32, #tpu.memory_space<vmem>>
      %dma_wait3A_827 = arith.constant 0 : i32
      %dma_wait3A_828 = arith.constant 0 : i32
      %dma_wait3A_829 = tpu.memref_slice %arg3[%dma_wait3A_827, %dma_wait3A_828] : memref<1000000x128xf32, #tpu.memory_space<hbm>> -> memref<128x128xf32, #tpu.memory_space<hbm>>
      %dma_wait3A_830 = tpu.memref_slice %arg7[%dma_wait3A_822] : memref<5x!tpu.dma_semaphore, #tpu.memory_space<semaphore_mem>> -> memref<1x!tpu.dma_semaphore, #tpu.memory_space<semaphore_mem>>
      %dma_wait3A_831 = tpu.memref_squeeze %dma_wait3A_830 : memref<1x!tpu.dma_semaphore, #tpu.memory_space<semaphore_mem>> -> memref<!tpu.dma_semaphore, #tpu.memory_space<semaphore_mem>>
      %dma_wait3A_832 = arith.constant 0 : i32
      %dma_wait3A_833 = arith.constant 0 : i32
      %dma_wait3A_834 = tpu.memref_slice %arg6[%dma_wait3A_821, %dma_wait3A_832, %dma_wait3A_833] : memref<5x128x128xf32, #tpu.memory_space<vmem>> -> memref<1x128x128xf32, #tpu.memory_space<vmem>>
      %dma_wait3A_835 = tpu.memref_squeeze %dma_wait3A_834 : memref<1x128x128xf32, #tpu.memory_space<vmem>> -> memref<128x128xf32, #tpu.memory_space<vmem>>
      %dma_wait3A_836 = arith.constant 0 : i32
      %dma_wait3A_837 = arith.constant 0 : i32
      %dma_wait3A_838 = tpu.memref_slice %arg3[%dma_wait3A_836, %dma_wait3A_837] : memref<1000000x128xf32, #tpu.memory_space<hbm>> -> memref<128x128xf32, #tpu.memory_space<hbm>>
      tpu.wait_dma2 semaphore(%dma_wait3A_831 : memref<!tpu.dma_semaphore, #tpu.memory_space<semaphore_mem>>) src(%dma_wait3A_838 : memref<128x128xf32, #tpu.memory_space<hbm>>) dst(%dma_wait3A_835 : memref<128x128xf32, #tpu.memory_space<vmem>>)
      %add3A_839 = arith.addi %mul3A_2, %add3A_820 : i32
      %dma_start3A_840 = arith.constant 1 : i32
      %dma_start3A_841 = arith.constant 1 : i32
      %dma_start3A_842 = arith.constant 0 : i32
      %dma_start3A_843 = arith.constant 0 : i32
      %dma_start3A_844 = tpu.memref_slice %arg6[%dma_start3A_840, %dma_start3A_842, %dma_start3A_843] : memref<5x128x128xf32, #tpu.memory_space<vmem>> -> memref<1x128x64xf32, #tpu.memory_space<vmem>>
      %dma_start3A_845 = tpu.memref_squeeze %dma_start3A_844 : memref<1x128x64xf32, #tpu.memory_space<vmem>> -> memref<128x64xf32, #tpu.memory_space<vmem>>
      %dma_start3A_846 = arith.constant 0 : i32
      %dma_start3A_847 = arith.constant 0 : i32
      %dma_start3A_848 = tpu.memref_slice %arg4[%add3A_839, %dma_start3A_846, %dma_start3A_847] : memref<6400x128x64xf32, #tpu.memory_space<hbm>> -> memref<1x128x64xf32, #tpu.memory_space<hbm>>
      %dma_start3A_849 = tpu.memref_squeeze %dma_start3A_848 : memref<1x128x64xf32, #tpu.memory_space<hbm>> -> memref<128x64xf32, #tpu.memory_space<hbm>>
      %dma_start3A_850 = tpu.memref_slice %arg8[%dma_start3A_841] : memref<5x!tpu.dma_semaphore, #tpu.memory_space<semaphore_mem>> -> memref<1x!tpu.dma_semaphore, #tpu.memory_space<semaphore_mem>>
      %dma_start3A_851 = tpu.memref_squeeze %dma_start3A_850 : memref<1x!tpu.dma_semaphore, #tpu.memory_space<semaphore_mem>> -> memref<!tpu.dma_semaphore, #tpu.memory_space<semaphore_mem>>
      %dma_start3A_852 = arith.constant 0 : i32
      %dma_start3A_853 = arith.constant 0 : i32
      %dma_start3A_854 = tpu.memref_slice %arg4[%add3A_839, %dma_start3A_852, %dma_start3A_853] : memref<6400x128x64xf32, #tpu.memory_space<hbm>> -> memref<1x128x64xf32, #tpu.memory_space<hbm>>
      %dma_start3A_855 = tpu.memref_squeeze %dma_start3A_854 : memref<1x128x64xf32, #tpu.memory_space<hbm>> -> memref<128x64xf32, #tpu.memory_space<hbm>>
      %dma_start3A_856 = arith.constant 0 : i32
      %dma_start3A_857 = arith.constant 0 : i32
      %dma_start3A_858 = tpu.memref_slice %arg6[%dma_start3A_840, %dma_start3A_856, %dma_start3A_857] : memref<5x128x128xf32, #tpu.memory_space<vmem>> -> memref<1x128x64xf32, #tpu.memory_space<vmem>>
      %dma_start3A_859 = tpu.memref_squeeze %dma_start3A_858 : memref<1x128x64xf32, #tpu.memory_space<vmem>> -> memref<128x64xf32, #tpu.memory_space<vmem>>
      tpu.enqueue_dma source(%dma_start3A_859 : memref<128x64xf32, #tpu.memory_space<vmem>>) target(%dma_start3A_855 : memref<128x64xf32, #tpu.memory_space<hbm>>) target_semaphore(%dma_start3A_851 : memref<!tpu.dma_semaphore, #tpu.memory_space<semaphore_mem>>)
      %dma_wait3A_860 = arith.constant 4 : i32
      %dma_wait3A_861 = arith.constant 4 : i32
      %dma_wait3A_862 = arith.constant 0 : i32
      %dma_wait3A_863 = arith.constant 0 : i32
      %dma_wait3A_864 = tpu.memref_slice %arg6[%dma_wait3A_860, %dma_wait3A_862, %dma_wait3A_863] : memref<5x128x128xf32, #tpu.memory_space<vmem>> -> memref<1x64x128xf32, #tpu.memory_space<vmem>>
      %dma_wait3A_865 = tpu.memref_squeeze %dma_wait3A_864 : memref<1x64x128xf32, #tpu.memory_space<vmem>> -> memref<64x128xf32, #tpu.memory_space<vmem>>
      %dma_wait3A_866 = arith.constant 0 : i32
      %dma_wait3A_867 = arith.constant 0 : i32
      %dma_wait3A_868 = tpu.memref_slice %arg3[%dma_wait3A_866, %dma_wait3A_867] : memref<1000000x128xf32, #tpu.memory_space<hbm>> -> memref<64x128xf32, #tpu.memory_space<hbm>>
      %dma_wait3A_869 = tpu.memref_slice %arg8[%dma_wait3A_861] : memref<5x!tpu.dma_semaphore, #tpu.memory_space<semaphore_mem>> -> memref<1x!tpu.dma_semaphore, #tpu.memory_space<semaphore_mem>>
      %dma_wait3A_870 = tpu.memref_squeeze %dma_wait3A_869 : memref<1x!tpu.dma_semaphore, #tpu.memory_space<semaphore_mem>> -> memref<!tpu.dma_semaphore, #tpu.memory_space<semaphore_mem>>
      %dma_wait3A_871 = arith.constant 0 : i32
      %dma_wait3A_872 = arith.constant 0 : i32
      %dma_wait3A_873 = tpu.memref_slice %arg6[%dma_wait3A_860, %dma_wait3A_871, %dma_wait3A_872] : memref<5x128x128xf32, #tpu.memory_space<vmem>> -> memref<1x64x128xf32, #tpu.memory_space<vmem>>
      %dma_wait3A_874 = tpu.memref_squeeze %dma_wait3A_873 : memref<1x64x128xf32, #tpu.memory_space<vmem>> -> memref<64x128xf32, #tpu.memory_space<vmem>>
      %dma_wait3A_875 = arith.constant 0 : i32
      %dma_wait3A_876 = arith.constant 0 : i32
      %dma_wait3A_877 = tpu.memref_slice %arg3[%dma_wait3A_875, %dma_wait3A_876] : memref<1000000x128xf32, #tpu.memory_space<hbm>> -> memref<64x128xf32, #tpu.memory_space<hbm>>
      tpu.wait_dma2 semaphore(%dma_wait3A_870 : memref<!tpu.dma_semaphore, #tpu.memory_space<semaphore_mem>>) src(%dma_wait3A_877 : memref<64x128xf32, #tpu.memory_space<hbm>>) dst(%dma_wait3A_874 : memref<64x128xf32, #tpu.memory_space<vmem>>)
      %sub3A_878 = arith.constant 2 : i32
      %sub3A_879 = arith.subi %add3A_820, %sub3A_878 : i32
      %add3A_880 = arith.constant 5 : i32
      %add3A_881 = arith.addi %sub3A_879, %add3A_880 : i32
      %dma_start3A_882 = arith.constant 4 : i32
      %dma_start3A_883 = arith.constant 4 : i32
      %dma_start3A_884 = arith.constant 0 : i32
      %dma_start3A_885 = arith.constant 0 : i32
      %dma_start3A_886 = tpu.memref_slice %arg6[%dma_start3A_882, %dma_start3A_884, %dma_start3A_885] : memref<5x128x128xf32, #tpu.memory_space<vmem>> -> memref<1x128x128xf32, #tpu.memory_space<vmem>>
      %dma_start3A_887 = tpu.memref_squeeze %dma_start3A_886 : memref<1x128x128xf32, #tpu.memory_space<vmem>> -> memref<128x128xf32, #tpu.memory_space<vmem>>
      %dma_start3A_888 = arith.constant 0 : i32
      %dma_start3A_889 = tpu.memref_slice %arg5[%add3A_881, %dma_start3A_888] : memref<200x128xi32, #tpu.memory_space<vmem>> -> memref<1x128xi32, #tpu.memory_space<vmem>>
      %dma_start3A_890 = tpu.memref_squeeze %dma_start3A_889 : memref<1x128xi32, #tpu.memory_space<vmem>> -> memref<128xi32, #tpu.memory_space<vmem>>
      %dma_start3A_891 = arith.constant 0 : i32
      %dma_start3A_892 = arith.constant 0 : i32
      %dma_start3A_893 = tpu.memref_slice %arg3[%dma_start3A_891, %dma_start3A_892] : memref<1000000x128xf32, #tpu.memory_space<hbm>> -> memref<1000000x128xf32, #tpu.memory_space<hbm>>
      %dma_start3A_894 = tpu.memref_slice %arg7[%dma_start3A_883] : memref<5x!tpu.dma_semaphore, #tpu.memory_space<semaphore_mem>> -> memref<1x!tpu.dma_semaphore, #tpu.memory_space<semaphore_mem>>
      %dma_start3A_895 = tpu.memref_squeeze %dma_start3A_894 : memref<1x!tpu.dma_semaphore, #tpu.memory_space<semaphore_mem>> -> memref<!tpu.dma_semaphore, #tpu.memory_space<semaphore_mem>>
      tpu.enqueue_indirect_dma source(%dma_start3A_893 : memref<1000000x128xf32, #tpu.memory_space<hbm>>) target(%dma_start3A_887 : memref<128x128xf32, #tpu.memory_space<vmem>>) offsets(%dma_start3A_890 : memref<128xi32, #tpu.memory_space<vmem>>) semaphore(%dma_start3A_895 : memref<!tpu.dma_semaphore, #tpu.memory_space<semaphore_mem>>)
      %mul3A_896 = arith.constant 5 : i32
      %mul3A_897 = arith.muli %scan3A_737, %mul3A_896 : i32
      %add3A_898 = arith.constant 2 : i32
      %add3A_899 = arith.addi %mul3A_897, %add3A_898 : i32
      %dma_wait3A_900 = arith.constant 2 : i32
      %dma_wait3A_901 = arith.constant 2 : i32
      %dma_wait3A_902 = arith.constant 0 : i32
      %dma_wait3A_903 = arith.constant 0 : i32
      %dma_wait3A_904 = tpu.memref_slice %arg6[%dma_wait3A_900, %dma_wait3A_902, %dma_wait3A_903] : memref<5x128x128xf32, #tpu.memory_space<vmem>> -> memref<1x128x128xf32, #tpu.memory_space<vmem>>
      %dma_wait3A_905 = tpu.memref_squeeze %dma_wait3A_904 : memref<1x128x128xf32, #tpu.memory_space<vmem>> -> memref<128x128xf32, #tpu.memory_space<vmem>>
      %dma_wait3A_906 = arith.constant 0 : i32
      %dma_wait3A_907 = arith.constant 0 : i32
      %dma_wait3A_908 = tpu.memref_slice %arg3[%dma_wait3A_906, %dma_wait3A_907] : memref<1000000x128xf32, #tpu.memory_space<hbm>> -> memref<128x128xf32, #tpu.memory_space<hbm>>
      %dma_wait3A_909 = tpu.memref_slice %arg7[%dma_wait3A_901] : memref<5x!tpu.dma_semaphore, #tpu.memory_space<semaphore_mem>> -> memref<1x!tpu.dma_semaphore, #tpu.memory_space<semaphore_mem>>
      %dma_wait3A_910 = tpu.memref_squeeze %dma_wait3A_909 : memref<1x!tpu.dma_semaphore, #tpu.memory_space<semaphore_mem>> -> memref<!tpu.dma_semaphore, #tpu.memory_space<semaphore_mem>>
      %dma_wait3A_911 = arith.constant 0 : i32
      %dma_wait3A_912 = arith.constant 0 : i32
      %dma_wait3A_913 = tpu.memref_slice %arg6[%dma_wait3A_900, %dma_wait3A_911, %dma_wait3A_912] : memref<5x128x128xf32, #tpu.memory_space<vmem>> -> memref<1x128x128xf32, #tpu.memory_space<vmem>>
      %dma_wait3A_914 = tpu.memref_squeeze %dma_wait3A_913 : memref<1x128x128xf32, #tpu.memory_space<vmem>> -> memref<128x128xf32, #tpu.memory_space<vmem>>
      %dma_wait3A_915 = arith.constant 0 : i32
      %dma_wait3A_916 = arith.constant 0 : i32
      %dma_wait3A_917 = tpu.memref_slice %arg3[%dma_wait3A_915, %dma_wait3A_916] : memref<1000000x128xf32, #tpu.memory_space<hbm>> -> memref<128x128xf32, #tpu.memory_space<hbm>>
      tpu.wait_dma2 semaphore(%dma_wait3A_910 : memref<!tpu.dma_semaphore, #tpu.memory_space<semaphore_mem>>) src(%dma_wait3A_917 : memref<128x128xf32, #tpu.memory_space<hbm>>) dst(%dma_wait3A_914 : memref<128x128xf32, #tpu.memory_space<vmem>>)
      %add3A_918 = arith.addi %mul3A_2, %add3A_899 : i32
      %dma_start3A_919 = arith.constant 2 : i32
      %dma_start3A_920 = arith.constant 2 : i32
      %dma_start3A_921 = arith.constant 0 : i32
      %dma_start3A_922 = arith.constant 0 : i32
      %dma_start3A_923 = tpu.memref_slice %arg6[%dma_start3A_919, %dma_start3A_921, %dma_start3A_922] : memref<5x128x128xf32, #tpu.memory_space<vmem>> -> memref<1x128x64xf32, #tpu.memory_space<vmem>>
      %dma_start3A_924 = tpu.memref_squeeze %dma_start3A_923 : memref<1x128x64xf32, #tpu.memory_space<vmem>> -> memref<128x64xf32, #tpu.memory_space<vmem>>
      %dma_start3A_925 = arith.constant 0 : i32
      %dma_start3A_926 = arith.constant 0 : i32
      %dma_start3A_927 = tpu.memref_slice %arg4[%add3A_918, %dma_start3A_925, %dma_start3A_926] : memref<6400x128x64xf32, #tpu.memory_space<hbm>> -> memref<1x128x64xf32, #tpu.memory_space<hbm>>
      %dma_start3A_928 = tpu.memref_squeeze %dma_start3A_927 : memref<1x128x64xf32, #tpu.memory_space<hbm>> -> memref<128x64xf32, #tpu.memory_space<hbm>>
      %dma_start3A_929 = tpu.memref_slice %arg8[%dma_start3A_920] : memref<5x!tpu.dma_semaphore, #tpu.memory_space<semaphore_mem>> -> memref<1x!tpu.dma_semaphore, #tpu.memory_space<semaphore_mem>>
      %dma_start3A_930 = tpu.memref_squeeze %dma_start3A_929 : memref<1x!tpu.dma_semaphore, #tpu.memory_space<semaphore_mem>> -> memref<!tpu.dma_semaphore, #tpu.memory_space<semaphore_mem>>
      %dma_start3A_931 = arith.constant 0 : i32
      %dma_start3A_932 = arith.constant 0 : i32
      %dma_start3A_933 = tpu.memref_slice %arg4[%add3A_918, %dma_start3A_931, %dma_start3A_932] : memref<6400x128x64xf32, #tpu.memory_space<hbm>> -> memref<1x128x64xf32, #tpu.memory_space<hbm>>
      %dma_start3A_934 = tpu.memref_squeeze %dma_start3A_933 : memref<1x128x64xf32, #tpu.memory_space<hbm>> -> memref<128x64xf32, #tpu.memory_space<hbm>>
      %dma_start3A_935 = arith.constant 0 : i32
      %dma_start3A_936 = arith.constant 0 : i32
      %dma_start3A_937 = tpu.memref_slice %arg6[%dma_start3A_919, %dma_start3A_935, %dma_start3A_936] : memref<5x128x128xf32, #tpu.memory_space<vmem>> -> memref<1x128x64xf32, #tpu.memory_space<vmem>>
      %dma_start3A_938 = tpu.memref_squeeze %dma_start3A_937 : memref<1x128x64xf32, #tpu.memory_space<vmem>> -> memref<128x64xf32, #tpu.memory_space<vmem>>
      tpu.enqueue_dma source(%dma_start3A_938 : memref<128x64xf32, #tpu.memory_space<vmem>>) target(%dma_start3A_934 : memref<128x64xf32, #tpu.memory_space<hbm>>) target_semaphore(%dma_start3A_930 : memref<!tpu.dma_semaphore, #tpu.memory_space<semaphore_mem>>)
      %dma_wait3A_939 = arith.constant 0 : i32
      %dma_wait3A_940 = arith.constant 0 : i32
      %dma_wait3A_941 = arith.constant 0 : i32
      %dma_wait3A_942 = arith.constant 0 : i32
      %dma_wait3A_943 = tpu.memref_slice %arg6[%dma_wait3A_939, %dma_wait3A_941, %dma_wait3A_942] : memref<5x128x128xf32, #tpu.memory_space<vmem>> -> memref<1x64x128xf32, #tpu.memory_space<vmem>>
      %dma_wait3A_944 = tpu.memref_squeeze %dma_wait3A_943 : memref<1x64x128xf32, #tpu.memory_space<vmem>> -> memref<64x128xf32, #tpu.memory_space<vmem>>
      %dma_wait3A_945 = arith.constant 0 : i32
      %dma_wait3A_946 = arith.constant 0 : i32
      %dma_wait3A_947 = tpu.memref_slice %arg3[%dma_wait3A_945, %dma_wait3A_946] : memref<1000000x128xf32, #tpu.memory_space<hbm>> -> memref<64x128xf32, #tpu.memory_space<hbm>>
      %dma_wait3A_948 = tpu.memref_slice %arg8[%dma_wait3A_940] : memref<5x!tpu.dma_semaphore, #tpu.memory_space<semaphore_mem>> -> memref<1x!tpu.dma_semaphore, #tpu.memory_space<semaphore_mem>>
      %dma_wait3A_949 = tpu.memref_squeeze %dma_wait3A_948 : memref<1x!tpu.dma_semaphore, #tpu.memory_space<semaphore_mem>> -> memref<!tpu.dma_semaphore, #tpu.memory_space<semaphore_mem>>
      %dma_wait3A_950 = arith.constant 0 : i32
      %dma_wait3A_951 = arith.constant 0 : i32
      %dma_wait3A_952 = tpu.memref_slice %arg6[%dma_wait3A_939, %dma_wait3A_950, %dma_wait3A_951] : memref<5x128x128xf32, #tpu.memory_space<vmem>> -> memref<1x64x128xf32, #tpu.memory_space<vmem>>
      %dma_wait3A_953 = tpu.memref_squeeze %dma_wait3A_952 : memref<1x64x128xf32, #tpu.memory_space<vmem>> -> memref<64x128xf32, #tpu.memory_space<vmem>>
      %dma_wait3A_954 = arith.constant 0 : i32
      %dma_wait3A_955 = arith.constant 0 : i32
      %dma_wait3A_956 = tpu.memref_slice %arg3[%dma_wait3A_954, %dma_wait3A_955] : memref<1000000x128xf32, #tpu.memory_space<hbm>> -> memref<64x128xf32, #tpu.memory_space<hbm>>
      tpu.wait_dma2 semaphore(%dma_wait3A_949 : memref<!tpu.dma_semaphore, #tpu.memory_space<semaphore_mem>>) src(%dma_wait3A_956 : memref<64x128xf32, #tpu.memory_space<hbm>>) dst(%dma_wait3A_953 : memref<64x128xf32, #tpu.memory_space<vmem>>)
      %sub3A_957 = arith.constant 2 : i32
      %sub3A_958 = arith.subi %add3A_899, %sub3A_957 : i32
      %add3A_959 = arith.constant 5 : i32
      %add3A_960 = arith.addi %sub3A_958, %add3A_959 : i32
      %dma_start3A_961 = arith.constant 0 : i32
      %dma_start3A_962 = arith.constant 0 : i32
      %dma_start3A_963 = arith.constant 0 : i32
      %dma_start3A_964 = arith.constant 0 : i32
      %dma_start3A_965 = tpu.memref_slice %arg6[%dma_start3A_961, %dma_start3A_963, %dma_start3A_964] : memref<5x128x128xf32, #tpu.memory_space<vmem>> -> memref<1x128x128xf32, #tpu.memory_space<vmem>>
      %dma_start3A_966 = tpu.memref_squeeze %dma_start3A_965 : memref<1x128x128xf32, #tpu.memory_space<vmem>> -> memref<128x128xf32, #tpu.memory_space<vmem>>
      %dma_start3A_967 = arith.constant 0 : i32
      %dma_start3A_968 = tpu.memref_slice %arg5[%add3A_960, %dma_start3A_967] : memref<200x128xi32, #tpu.memory_space<vmem>> -> memref<1x128xi32, #tpu.memory_space<vmem>>
      %dma_start3A_969 = tpu.memref_squeeze %dma_start3A_968 : memref<1x128xi32, #tpu.memory_space<vmem>> -> memref<128xi32, #tpu.memory_space<vmem>>
      %dma_start3A_970 = arith.constant 0 : i32
      %dma_start3A_971 = arith.constant 0 : i32
      %dma_start3A_972 = tpu.memref_slice %arg3[%dma_start3A_970, %dma_start3A_971] : memref<1000000x128xf32, #tpu.memory_space<hbm>> -> memref<1000000x128xf32, #tpu.memory_space<hbm>>
      %dma_start3A_973 = tpu.memref_slice %arg7[%dma_start3A_962] : memref<5x!tpu.dma_semaphore, #tpu.memory_space<semaphore_mem>> -> memref<1x!tpu.dma_semaphore, #tpu.memory_space<semaphore_mem>>
      %dma_start3A_974 = tpu.memref_squeeze %dma_start3A_973 : memref<1x!tpu.dma_semaphore, #tpu.memory_space<semaphore_mem>> -> memref<!tpu.dma_semaphore, #tpu.memory_space<semaphore_mem>>
      tpu.enqueue_indirect_dma source(%dma_start3A_972 : memref<1000000x128xf32, #tpu.memory_space<hbm>>) target(%dma_start3A_966 : memref<128x128xf32, #tpu.memory_space<vmem>>) offsets(%dma_start3A_969 : memref<128xi32, #tpu.memory_space<vmem>>) semaphore(%dma_start3A_974 : memref<!tpu.dma_semaphore, #tpu.memory_space<semaphore_mem>>)
      %mul3A_975 = arith.constant 5 : i32
      %mul3A_976 = arith.muli %scan3A_737, %mul3A_975 : i32
      %add3A_977 = arith.constant 3 : i32
      %add3A_978 = arith.addi %mul3A_976, %add3A_977 : i32
      %dma_wait3A_979 = arith.constant 3 : i32
      %dma_wait3A_980 = arith.constant 3 : i32
      %dma_wait3A_981 = arith.constant 0 : i32
      %dma_wait3A_982 = arith.constant 0 : i32
      %dma_wait3A_983 = tpu.memref_slice %arg6[%dma_wait3A_979, %dma_wait3A_981, %dma_wait3A_982] : memref<5x128x128xf32, #tpu.memory_space<vmem>> -> memref<1x128x128xf32, #tpu.memory_space<vmem>>
      %dma_wait3A_984 = tpu.memref_squeeze %dma_wait3A_983 : memref<1x128x128xf32, #tpu.memory_space<vmem>> -> memref<128x128xf32, #tpu.memory_space<vmem>>
      %dma_wait3A_985 = arith.constant 0 : i32
      %dma_wait3A_986 = arith.constant 0 : i32
      %dma_wait3A_987 = tpu.memref_slice %arg3[%dma_wait3A_985, %dma_wait3A_986] : memref<1000000x128xf32, #tpu.memory_space<hbm>> -> memref<128x128xf32, #tpu.memory_space<hbm>>
      %dma_wait3A_988 = tpu.memref_slice %arg7[%dma_wait3A_980] : memref<5x!tpu.dma_semaphore, #tpu.memory_space<semaphore_mem>> -> memref<1x!tpu.dma_semaphore, #tpu.memory_space<semaphore_mem>>
      %dma_wait3A_989 = tpu.memref_squeeze %dma_wait3A_988 : memref<1x!tpu.dma_semaphore, #tpu.memory_space<semaphore_mem>> -> memref<!tpu.dma_semaphore, #tpu.memory_space<semaphore_mem>>
      %dma_wait3A_990 = arith.constant 0 : i32
      %dma_wait3A_991 = arith.constant 0 : i32
      %dma_wait3A_992 = tpu.memref_slice %arg6[%dma_wait3A_979, %dma_wait3A_990, %dma_wait3A_991] : memref<5x128x128xf32, #tpu.memory_space<vmem>> -> memref<1x128x128xf32, #tpu.memory_space<vmem>>
      %dma_wait3A_993 = tpu.memref_squeeze %dma_wait3A_992 : memref<1x128x128xf32, #tpu.memory_space<vmem>> -> memref<128x128xf32, #tpu.memory_space<vmem>>
      %dma_wait3A_994 = arith.constant 0 : i32
      %dma_wait3A_995 = arith.constant 0 : i32
      %dma_wait3A_996 = tpu.memref_slice %arg3[%dma_wait3A_994, %dma_wait3A_995] : memref<1000000x128xf32, #tpu.memory_space<hbm>> -> memref<128x128xf32, #tpu.memory_space<hbm>>
      tpu.wait_dma2 semaphore(%dma_wait3A_989 : memref<!tpu.dma_semaphore, #tpu.memory_space<semaphore_mem>>) src(%dma_wait3A_996 : memref<128x128xf32, #tpu.memory_space<hbm>>) dst(%dma_wait3A_993 : memref<128x128xf32, #tpu.memory_space<vmem>>)
      %add3A_997 = arith.addi %mul3A_2, %add3A_978 : i32
      %dma_start3A_998 = arith.constant 3 : i32
      %dma_start3A_999 = arith.constant 3 : i32
      %dma_start3A_1000 = arith.constant 0 : i32
      %dma_start3A_1001 = arith.constant 0 : i32
      %dma_start3A_1002 = tpu.memref_slice %arg6[%dma_start3A_998, %dma_start3A_1000, %dma_start3A_1001] : memref<5x128x128xf32, #tpu.memory_space<vmem>> -> memref<1x128x64xf32, #tpu.memory_space<vmem>>
      %dma_start3A_1003 = tpu.memref_squeeze %dma_start3A_1002 : memref<1x128x64xf32, #tpu.memory_space<vmem>> -> memref<128x64xf32, #tpu.memory_space<vmem>>
      %dma_start3A_1004 = arith.constant 0 : i32
      %dma_start3A_1005 = arith.constant 0 : i32
      %dma_start3A_1006 = tpu.memref_slice %arg4[%add3A_997, %dma_start3A_1004, %dma_start3A_1005] : memref<6400x128x64xf32, #tpu.memory_space<hbm>> -> memref<1x128x64xf32, #tpu.memory_space<hbm>>
      %dma_start3A_1007 = tpu.memref_squeeze %dma_start3A_1006 : memref<1x128x64xf32, #tpu.memory_space<hbm>> -> memref<128x64xf32, #tpu.memory_space<hbm>>
      %dma_start3A_1008 = tpu.memref_slice %arg8[%dma_start3A_999] : memref<5x!tpu.dma_semaphore, #tpu.memory_space<semaphore_mem>> -> memref<1x!tpu.dma_semaphore, #tpu.memory_space<semaphore_mem>>
      %dma_start3A_1009 = tpu.memref_squeeze %dma_start3A_1008 : memref<1x!tpu.dma_semaphore, #tpu.memory_space<semaphore_mem>> -> memref<!tpu.dma_semaphore, #tpu.memory_space<semaphore_mem>>
      %dma_start3A_1010 = arith.constant 0 : i32
      %dma_start3A_1011 = arith.constant 0 : i32
      %dma_start3A_1012 = tpu.memref_slice %arg4[%add3A_997, %dma_start3A_1010, %dma_start3A_1011] : memref<6400x128x64xf32, #tpu.memory_space<hbm>> -> memref<1x128x64xf32, #tpu.memory_space<hbm>>
      %dma_start3A_1013 = tpu.memref_squeeze %dma_start3A_1012 : memref<1x128x64xf32, #tpu.memory_space<hbm>> -> memref<128x64xf32, #tpu.memory_space<hbm>>
      %dma_start3A_1014 = arith.constant 0 : i32
      %dma_start3A_1015 = arith.constant 0 : i32
      %dma_start3A_1016 = tpu.memref_slice %arg6[%dma_start3A_998, %dma_start3A_1014, %dma_start3A_1015] : memref<5x128x128xf32, #tpu.memory_space<vmem>> -> memref<1x128x64xf32, #tpu.memory_space<vmem>>
      %dma_start3A_1017 = tpu.memref_squeeze %dma_start3A_1016 : memref<1x128x64xf32, #tpu.memory_space<vmem>> -> memref<128x64xf32, #tpu.memory_space<vmem>>
      tpu.enqueue_dma source(%dma_start3A_1017 : memref<128x64xf32, #tpu.memory_space<vmem>>) target(%dma_start3A_1013 : memref<128x64xf32, #tpu.memory_space<hbm>>) target_semaphore(%dma_start3A_1009 : memref<!tpu.dma_semaphore, #tpu.memory_space<semaphore_mem>>)
      %dma_wait3A_1018 = arith.constant 1 : i32
      %dma_wait3A_1019 = arith.constant 1 : i32
      %dma_wait3A_1020 = arith.constant 0 : i32
      %dma_wait3A_1021 = arith.constant 0 : i32
      %dma_wait3A_1022 = tpu.memref_slice %arg6[%dma_wait3A_1018, %dma_wait3A_1020, %dma_wait3A_1021] : memref<5x128x128xf32, #tpu.memory_space<vmem>> -> memref<1x64x128xf32, #tpu.memory_space<vmem>>
      %dma_wait3A_1023 = tpu.memref_squeeze %dma_wait3A_1022 : memref<1x64x128xf32, #tpu.memory_space<vmem>> -> memref<64x128xf32, #tpu.memory_space<vmem>>
      %dma_wait3A_1024 = arith.constant 0 : i32
      %dma_wait3A_1025 = arith.constant 0 : i32
      %dma_wait3A_1026 = tpu.memref_slice %arg3[%dma_wait3A_1024, %dma_wait3A_1025] : memref<1000000x128xf32, #tpu.memory_space<hbm>> -> memref<64x128xf32, #tpu.memory_space<hbm>>
      %dma_wait3A_1027 = tpu.memref_slice %arg8[%dma_wait3A_1019] : memref<5x!tpu.dma_semaphore, #tpu.memory_space<semaphore_mem>> -> memref<1x!tpu.dma_semaphore, #tpu.memory_space<semaphore_mem>>
      %dma_wait3A_1028 = tpu.memref_squeeze %dma_wait3A_1027 : memref<1x!tpu.dma_semaphore, #tpu.memory_space<semaphore_mem>> -> memref<!tpu.dma_semaphore, #tpu.memory_space<semaphore_mem>>
      %dma_wait3A_1029 = arith.constant 0 : i32
      %dma_wait3A_1030 = arith.constant 0 : i32
      %dma_wait3A_1031 = tpu.memref_slice %arg6[%dma_wait3A_1018, %dma_wait3A_1029, %dma_wait3A_1030] : memref<5x128x128xf32, #tpu.memory_space<vmem>> -> memref<1x64x128xf32, #tpu.memory_space<vmem>>
      %dma_wait3A_1032 = tpu.memref_squeeze %dma_wait3A_1031 : memref<1x64x128xf32, #tpu.memory_space<vmem>> -> memref<64x128xf32, #tpu.memory_space<vmem>>
      %dma_wait3A_1033 = arith.constant 0 : i32
      %dma_wait3A_1034 = arith.constant 0 : i32
      %dma_wait3A_1035 = tpu.memref_slice %arg3[%dma_wait3A_1033, %dma_wait3A_1034] : memref<1000000x128xf32, #tpu.memory_space<hbm>> -> memref<64x128xf32, #tpu.memory_space<hbm>>
      tpu.wait_dma2 semaphore(%dma_wait3A_1028 : memref<!tpu.dma_semaphore, #tpu.memory_space<semaphore_mem>>) src(%dma_wait3A_1035 : memref<64x128xf32, #tpu.memory_space<hbm>>) dst(%dma_wait3A_1032 : memref<64x128xf32, #tpu.memory_space<vmem>>)
      %sub3A_1036 = arith.constant 2 : i32
      %sub3A_1037 = arith.subi %add3A_978, %sub3A_1036 : i32
      %add3A_1038 = arith.constant 5 : i32
      %add3A_1039 = arith.addi %sub3A_1037, %add3A_1038 : i32
      %dma_start3A_1040 = arith.constant 1 : i32
      %dma_start3A_1041 = arith.constant 1 : i32
      %dma_start3A_1042 = arith.constant 0 : i32
      %dma_start3A_1043 = arith.constant 0 : i32
      %dma_start3A_1044 = tpu.memref_slice %arg6[%dma_start3A_1040, %dma_start3A_1042, %dma_start3A_1043] : memref<5x128x128xf32, #tpu.memory_space<vmem>> -> memref<1x128x128xf32, #tpu.memory_space<vmem>>
      %dma_start3A_1045 = tpu.memref_squeeze %dma_start3A_1044 : memref<1x128x128xf32, #tpu.memory_space<vmem>> -> memref<128x128xf32, #tpu.memory_space<vmem>>
      %dma_start3A_1046 = arith.constant 0 : i32
      %dma_start3A_1047 = tpu.memref_slice %arg5[%add3A_1039, %dma_start3A_1046] : memref<200x128xi32, #tpu.memory_space<vmem>> -> memref<1x128xi32, #tpu.memory_space<vmem>>
      %dma_start3A_1048 = tpu.memref_squeeze %dma_start3A_1047 : memref<1x128xi32, #tpu.memory_space<vmem>> -> memref<128xi32, #tpu.memory_space<vmem>>
      %dma_start3A_1049 = arith.constant 0 : i32
      %dma_start3A_1050 = arith.constant 0 : i32
      %dma_start3A_1051 = tpu.memref_slice %arg3[%dma_start3A_1049, %dma_start3A_1050] : memref<1000000x128xf32, #tpu.memory_space<hbm>> -> memref<1000000x128xf32, #tpu.memory_space<hbm>>
      %dma_start3A_1052 = tpu.memref_slice %arg7[%dma_start3A_1041] : memref<5x!tpu.dma_semaphore, #tpu.memory_space<semaphore_mem>> -> memref<1x!tpu.dma_semaphore, #tpu.memory_space<semaphore_mem>>
      %dma_start3A_1053 = tpu.memref_squeeze %dma_start3A_1052 : memref<1x!tpu.dma_semaphore, #tpu.memory_space<semaphore_mem>> -> memref<!tpu.dma_semaphore, #tpu.memory_space<semaphore_mem>>
      tpu.enqueue_indirect_dma source(%dma_start3A_1051 : memref<1000000x128xf32, #tpu.memory_space<hbm>>) target(%dma_start3A_1045 : memref<128x128xf32, #tpu.memory_space<vmem>>) offsets(%dma_start3A_1048 : memref<128xi32, #tpu.memory_space<vmem>>) semaphore(%dma_start3A_1053 : memref<!tpu.dma_semaphore, #tpu.memory_space<semaphore_mem>>)
      %mul3A_1054 = arith.constant 5 : i32
      %mul3A_1055 = arith.muli %scan3A_737, %mul3A_1054 : i32
      %add3A_1056 = arith.constant 4 : i32
      %add3A_1057 = arith.addi %mul3A_1055, %add3A_1056 : i32
      %dma_wait3A_1058 = arith.constant 4 : i32
      %dma_wait3A_1059 = arith.constant 4 : i32
      %dma_wait3A_1060 = arith.constant 0 : i32
      %dma_wait3A_1061 = arith.constant 0 : i32
      %dma_wait3A_1062 = tpu.memref_slice %arg6[%dma_wait3A_1058, %dma_wait3A_1060, %dma_wait3A_1061] : memref<5x128x128xf32, #tpu.memory_space<vmem>> -> memref<1x128x128xf32, #tpu.memory_space<vmem>>
      %dma_wait3A_1063 = tpu.memref_squeeze %dma_wait3A_1062 : memref<1x128x128xf32, #tpu.memory_space<vmem>> -> memref<128x128xf32, #tpu.memory_space<vmem>>
      %dma_wait3A_1064 = arith.constant 0 : i32
      %dma_wait3A_1065 = arith.constant 0 : i32
      %dma_wait3A_1066 = tpu.memref_slice %arg3[%dma_wait3A_1064, %dma_wait3A_1065] : memref<1000000x128xf32, #tpu.memory_space<hbm>> -> memref<128x128xf32, #tpu.memory_space<hbm>>
      %dma_wait3A_1067 = tpu.memref_slice %arg7[%dma_wait3A_1059] : memref<5x!tpu.dma_semaphore, #tpu.memory_space<semaphore_mem>> -> memref<1x!tpu.dma_semaphore, #tpu.memory_space<semaphore_mem>>
      %dma_wait3A_1068 = tpu.memref_squeeze %dma_wait3A_1067 : memref<1x!tpu.dma_semaphore, #tpu.memory_space<semaphore_mem>> -> memref<!tpu.dma_semaphore, #tpu.memory_space<semaphore_mem>>
      %dma_wait3A_1069 = arith.constant 0 : i32
      %dma_wait3A_1070 = arith.constant 0 : i32
      %dma_wait3A_1071 = tpu.memref_slice %arg6[%dma_wait3A_1058, %dma_wait3A_1069, %dma_wait3A_1070] : memref<5x128x128xf32, #tpu.memory_space<vmem>> -> memref<1x128x128xf32, #tpu.memory_space<vmem>>
      %dma_wait3A_1072 = tpu.memref_squeeze %dma_wait3A_1071 : memref<1x128x128xf32, #tpu.memory_space<vmem>> -> memref<128x128xf32, #tpu.memory_space<vmem>>
      %dma_wait3A_1073 = arith.constant 0 : i32
      %dma_wait3A_1074 = arith.constant 0 : i32
      %dma_wait3A_1075 = tpu.memref_slice %arg3[%dma_wait3A_1073, %dma_wait3A_1074] : memref<1000000x128xf32, #tpu.memory_space<hbm>> -> memref<128x128xf32, #tpu.memory_space<hbm>>
      tpu.wait_dma2 semaphore(%dma_wait3A_1068 : memref<!tpu.dma_semaphore, #tpu.memory_space<semaphore_mem>>) src(%dma_wait3A_1075 : memref<128x128xf32, #tpu.memory_space<hbm>>) dst(%dma_wait3A_1072 : memref<128x128xf32, #tpu.memory_space<vmem>>)
      %add3A_1076 = arith.addi %mul3A_2, %add3A_1057 : i32
      %dma_start3A_1077 = arith.constant 4 : i32
      %dma_start3A_1078 = arith.constant 4 : i32
      %dma_start3A_1079 = arith.constant 0 : i32
      %dma_start3A_1080 = arith.constant 0 : i32
      %dma_start3A_1081 = tpu.memref_slice %arg6[%dma_start3A_1077, %dma_start3A_1079, %dma_start3A_1080] : memref<5x128x128xf32, #tpu.memory_space<vmem>> -> memref<1x128x64xf32, #tpu.memory_space<vmem>>
      %dma_start3A_1082 = tpu.memref_squeeze %dma_start3A_1081 : memref<1x128x64xf32, #tpu.memory_space<vmem>> -> memref<128x64xf32, #tpu.memory_space<vmem>>
      %dma_start3A_1083 = arith.constant 0 : i32
      %dma_start3A_1084 = arith.constant 0 : i32
      %dma_start3A_1085 = tpu.memref_slice %arg4[%add3A_1076, %dma_start3A_1083, %dma_start3A_1084] : memref<6400x128x64xf32, #tpu.memory_space<hbm>> -> memref<1x128x64xf32, #tpu.memory_space<hbm>>
      %dma_start3A_1086 = tpu.memref_squeeze %dma_start3A_1085 : memref<1x128x64xf32, #tpu.memory_space<hbm>> -> memref<128x64xf32, #tpu.memory_space<hbm>>
      %dma_start3A_1087 = tpu.memref_slice %arg8[%dma_start3A_1078] : memref<5x!tpu.dma_semaphore, #tpu.memory_space<semaphore_mem>> -> memref<1x!tpu.dma_semaphore, #tpu.memory_space<semaphore_mem>>
      %dma_start3A_1088 = tpu.memref_squeeze %dma_start3A_1087 : memref<1x!tpu.dma_semaphore, #tpu.memory_space<semaphore_mem>> -> memref<!tpu.dma_semaphore, #tpu.memory_space<semaphore_mem>>
      %dma_start3A_1089 = arith.constant 0 : i32
      %dma_start3A_1090 = arith.constant 0 : i32
      %dma_start3A_1091 = tpu.memref_slice %arg4[%add3A_1076, %dma_start3A_1089, %dma_start3A_1090] : memref<6400x128x64xf32, #tpu.memory_space<hbm>> -> memref<1x128x64xf32, #tpu.memory_space<hbm>>
      %dma_start3A_1092 = tpu.memref_squeeze %dma_start3A_1091 : memref<1x128x64xf32, #tpu.memory_space<hbm>> -> memref<128x64xf32, #tpu.memory_space<hbm>>
      %dma_start3A_1093 = arith.constant 0 : i32
      %dma_start3A_1094 = arith.constant 0 : i32
      %dma_start3A_1095 = tpu.memref_slice %arg6[%dma_start3A_1077, %dma_start3A_1093, %dma_start3A_1094] : memref<5x128x128xf32, #tpu.memory_space<vmem>> -> memref<1x128x64xf32, #tpu.memory_space<vmem>>
      %dma_start3A_1096 = tpu.memref_squeeze %dma_start3A_1095 : memref<1x128x64xf32, #tpu.memory_space<vmem>> -> memref<128x64xf32, #tpu.memory_space<vmem>>
      tpu.enqueue_dma source(%dma_start3A_1096 : memref<128x64xf32, #tpu.memory_space<vmem>>) target(%dma_start3A_1092 : memref<128x64xf32, #tpu.memory_space<hbm>>) target_semaphore(%dma_start3A_1088 : memref<!tpu.dma_semaphore, #tpu.memory_space<semaphore_mem>>)
      %dma_wait3A_1097 = arith.constant 2 : i32
      %dma_wait3A_1098 = arith.constant 2 : i32
      %dma_wait3A_1099 = arith.constant 0 : i32
      %dma_wait3A_1100 = arith.constant 0 : i32
      %dma_wait3A_1101 = tpu.memref_slice %arg6[%dma_wait3A_1097, %dma_wait3A_1099, %dma_wait3A_1100] : memref<5x128x128xf32, #tpu.memory_space<vmem>> -> memref<1x64x128xf32, #tpu.memory_space<vmem>>
      %dma_wait3A_1102 = tpu.memref_squeeze %dma_wait3A_1101 : memref<1x64x128xf32, #tpu.memory_space<vmem>> -> memref<64x128xf32, #tpu.memory_space<vmem>>
      %dma_wait3A_1103 = arith.constant 0 : i32
      %dma_wait3A_1104 = arith.constant 0 : i32
      %dma_wait3A_1105 = tpu.memref_slice %arg3[%dma_wait3A_1103, %dma_wait3A_1104] : memref<1000000x128xf32, #tpu.memory_space<hbm>> -> memref<64x128xf32, #tpu.memory_space<hbm>>
      %dma_wait3A_1106 = tpu.memref_slice %arg8[%dma_wait3A_1098] : memref<5x!tpu.dma_semaphore, #tpu.memory_space<semaphore_mem>> -> memref<1x!tpu.dma_semaphore, #tpu.memory_space<semaphore_mem>>
      %dma_wait3A_1107 = tpu.memref_squeeze %dma_wait3A_1106 : memref<1x!tpu.dma_semaphore, #tpu.memory_space<semaphore_mem>> -> memref<!tpu.dma_semaphore, #tpu.memory_space<semaphore_mem>>
      %dma_wait3A_1108 = arith.constant 0 : i32
      %dma_wait3A_1109 = arith.constant 0 : i32
      %dma_wait3A_1110 = tpu.memref_slice %arg6[%dma_wait3A_1097, %dma_wait3A_1108, %dma_wait3A_1109] : memref<5x128x128xf32, #tpu.memory_space<vmem>> -> memref<1x64x128xf32, #tpu.memory_space<vmem>>
      %dma_wait3A_1111 = tpu.memref_squeeze %dma_wait3A_1110 : memref<1x64x128xf32, #tpu.memory_space<vmem>> -> memref<64x128xf32, #tpu.memory_space<vmem>>
      %dma_wait3A_1112 = arith.constant 0 : i32
      %dma_wait3A_1113 = arith.constant 0 : i32
      %dma_wait3A_1114 = tpu.memref_slice %arg3[%dma_wait3A_1112, %dma_wait3A_1113] : memref<1000000x128xf32, #tpu.memory_space<hbm>> -> memref<64x128xf32, #tpu.memory_space<hbm>>
      tpu.wait_dma2 semaphore(%dma_wait3A_1107 : memref<!tpu.dma_semaphore, #tpu.memory_space<semaphore_mem>>) src(%dma_wait3A_1114 : memref<64x128xf32, #tpu.memory_space<hbm>>) dst(%dma_wait3A_1111 : memref<64x128xf32, #tpu.memory_space<vmem>>)
      %sub3A_1115 = arith.constant 2 : i32
      %sub3A_1116 = arith.subi %add3A_1057, %sub3A_1115 : i32
      %add3A_1117 = arith.constant 5 : i32
      %add3A_1118 = arith.addi %sub3A_1116, %add3A_1117 : i32
      %dma_start3A_1119 = arith.constant 2 : i32
      %dma_start3A_1120 = arith.constant 2 : i32
      %dma_start3A_1121 = arith.constant 0 : i32
      %dma_start3A_1122 = arith.constant 0 : i32
      %dma_start3A_1123 = tpu.memref_slice %arg6[%dma_start3A_1119, %dma_start3A_1121, %dma_start3A_1122] : memref<5x128x128xf32, #tpu.memory_space<vmem>> -> memref<1x128x128xf32, #tpu.memory_space<vmem>>
      %dma_start3A_1124 = tpu.memref_squeeze %dma_start3A_1123 : memref<1x128x128xf32, #tpu.memory_space<vmem>> -> memref<128x128xf32, #tpu.memory_space<vmem>>
      %dma_start3A_1125 = arith.constant 0 : i32
      %dma_start3A_1126 = tpu.memref_slice %arg5[%add3A_1118, %dma_start3A_1125] : memref<200x128xi32, #tpu.memory_space<vmem>> -> memref<1x128xi32, #tpu.memory_space<vmem>>
      %dma_start3A_1127 = tpu.memref_squeeze %dma_start3A_1126 : memref<1x128xi32, #tpu.memory_space<vmem>> -> memref<128xi32, #tpu.memory_space<vmem>>
      %dma_start3A_1128 = arith.constant 0 : i32
      %dma_start3A_1129 = arith.constant 0 : i32
      %dma_start3A_1130 = tpu.memref_slice %arg3[%dma_start3A_1128, %dma_start3A_1129] : memref<1000000x128xf32, #tpu.memory_space<hbm>> -> memref<1000000x128xf32, #tpu.memory_space<hbm>>
      %dma_start3A_1131 = tpu.memref_slice %arg7[%dma_start3A_1120] : memref<5x!tpu.dma_semaphore, #tpu.memory_space<semaphore_mem>> -> memref<1x!tpu.dma_semaphore, #tpu.memory_space<semaphore_mem>>
      %dma_start3A_1132 = tpu.memref_squeeze %dma_start3A_1131 : memref<1x!tpu.dma_semaphore, #tpu.memory_space<semaphore_mem>> -> memref<!tpu.dma_semaphore, #tpu.memory_space<semaphore_mem>>
      tpu.enqueue_indirect_dma source(%dma_start3A_1130 : memref<1000000x128xf32, #tpu.memory_space<hbm>>) target(%dma_start3A_1124 : memref<128x128xf32, #tpu.memory_space<vmem>>) offsets(%dma_start3A_1127 : memref<128xi32, #tpu.memory_space<vmem>>) semaphore(%dma_start3A_1132 : memref<!tpu.dma_semaphore, #tpu.memory_space<semaphore_mem>>)
      %scan3A_1133 = arith.constant 0 : i32
      scf.yield %scan3A_1133 : i32
    }
    %scan3A_380 = arith.constant 38 : i32
    %dma_wait3A_381 = arith.constant 0 : i32
    %dma_wait3A_382 = arith.constant 0 : i32
    %dma_wait3A_383 = arith.constant 0 : i32
    %dma_wait3A_384 = arith.constant 0 : i32
    %dma_wait3A_385 = tpu.memref_slice %arg6[%dma_wait3A_381, %dma_wait3A_383, %dma_wait3A_384] : memref<5x128x128xf32, #tpu.memory_space<vmem>> -> memref<1x128x128xf32, #tpu.memory_space<vmem>>
    %dma_wait3A_386 = tpu.memref_squeeze %dma_wait3A_385 : memref<1x128x128xf32, #tpu.memory_space<vmem>> -> memref<128x128xf32, #tpu.memory_space<vmem>>
    %dma_wait3A_387 = arith.constant 0 : i32
    %dma_wait3A_388 = arith.constant 0 : i32
    %dma_wait3A_389 = tpu.memref_slice %arg3[%dma_wait3A_387, %dma_wait3A_388] : memref<1000000x128xf32, #tpu.memory_space<hbm>> -> memref<128x128xf32, #tpu.memory_space<hbm>>
    %dma_wait3A_390 = tpu.memref_slice %arg7[%dma_wait3A_382] : memref<5x!tpu.dma_semaphore, #tpu.memory_space<semaphore_mem>> -> memref<1x!tpu.dma_semaphore, #tpu.memory_space<semaphore_mem>>
    %dma_wait3A_391 = tpu.memref_squeeze %dma_wait3A_390 : memref<1x!tpu.dma_semaphore, #tpu.memory_space<semaphore_mem>> -> memref<!tpu.dma_semaphore, #tpu.memory_space<semaphore_mem>>
    %dma_wait3A_392 = arith.constant 0 : i32
    %dma_wait3A_393 = arith.constant 0 : i32
    %dma_wait3A_394 = tpu.memref_slice %arg6[%dma_wait3A_381, %dma_wait3A_392, %dma_wait3A_393] : memref<5x128x128xf32, #tpu.memory_space<vmem>> -> memref<1x128x128xf32, #tpu.memory_space<vmem>>
    %dma_wait3A_395 = tpu.memref_squeeze %dma_wait3A_394 : memref<1x128x128xf32, #tpu.memory_space<vmem>> -> memref<128x128xf32, #tpu.memory_space<vmem>>
    %dma_wait3A_396 = arith.constant 0 : i32
    %dma_wait3A_397 = arith.constant 0 : i32
    %dma_wait3A_398 = tpu.memref_slice %arg3[%dma_wait3A_396, %dma_wait3A_397] : memref<1000000x128xf32, #tpu.memory_space<hbm>> -> memref<128x128xf32, #tpu.memory_space<hbm>>
    tpu.wait_dma2 semaphore(%dma_wait3A_391 : memref<!tpu.dma_semaphore, #tpu.memory_space<semaphore_mem>>) src(%dma_wait3A_398 : memref<128x128xf32, #tpu.memory_space<hbm>>) dst(%dma_wait3A_395 : memref<128x128xf32, #tpu.memory_space<vmem>>)
    %add3A_399 = arith.constant 195 : i32
    %add3A_400 = arith.addi %mul3A_2, %add3A_399 : i32
    %dma_start3A_401 = arith.constant 0 : i32
    %dma_start3A_402 = arith.constant 0 : i32
    %dma_start3A_403 = arith.constant 0 : i32
    %dma_start3A_404 = arith.constant 0 : i32
    %dma_start3A_405 = tpu.memref_slice %arg6[%dma_start3A_401, %dma_start3A_403, %dma_start3A_404] : memref<5x128x128xf32, #tpu.memory_space<vmem>> -> memref<1x128x64xf32, #tpu.memory_space<vmem>>
    %dma_start3A_406 = tpu.memref_squeeze %dma_start3A_405 : memref<1x128x64xf32, #tpu.memory_space<vmem>> -> memref<128x64xf32, #tpu.memory_space<vmem>>
    %dma_start3A_407 = arith.constant 0 : i32
    %dma_start3A_408 = arith.constant 0 : i32
    %dma_start3A_409 = tpu.memref_slice %arg4[%add3A_400, %dma_start3A_407, %dma_start3A_408] : memref<6400x128x64xf32, #tpu.memory_space<hbm>> -> memref<1x128x64xf32, #tpu.memory_space<hbm>>
    %dma_start3A_410 = tpu.memref_squeeze %dma_start3A_409 : memref<1x128x64xf32, #tpu.memory_space<hbm>> -> memref<128x64xf32, #tpu.memory_space<hbm>>
    %dma_start3A_411 = tpu.memref_slice %arg8[%dma_start3A_402] : memref<5x!tpu.dma_semaphore, #tpu.memory_space<semaphore_mem>> -> memref<1x!tpu.dma_semaphore, #tpu.memory_space<semaphore_mem>>
    %dma_start3A_412 = tpu.memref_squeeze %dma_start3A_411 : memref<1x!tpu.dma_semaphore, #tpu.memory_space<semaphore_mem>> -> memref<!tpu.dma_semaphore, #tpu.memory_space<semaphore_mem>>
    %dma_start3A_413 = arith.constant 0 : i32
    %dma_start3A_414 = arith.constant 0 : i32
    %dma_start3A_415 = tpu.memref_slice %arg4[%add3A_400, %dma_start3A_413, %dma_start3A_414] : memref<6400x128x64xf32, #tpu.memory_space<hbm>> -> memref<1x128x64xf32, #tpu.memory_space<hbm>>
    %dma_start3A_416 = tpu.memref_squeeze %dma_start3A_415 : memref<1x128x64xf32, #tpu.memory_space<hbm>> -> memref<128x64xf32, #tpu.memory_space<hbm>>
    %dma_start3A_417 = arith.constant 0 : i32
    %dma_start3A_418 = arith.constant 0 : i32
    %dma_start3A_419 = tpu.memref_slice %arg6[%dma_start3A_401, %dma_start3A_417, %dma_start3A_418] : memref<5x128x128xf32, #tpu.memory_space<vmem>> -> memref<1x128x64xf32, #tpu.memory_space<vmem>>
    %dma_start3A_420 = tpu.memref_squeeze %dma_start3A_419 : memref<1x128x64xf32, #tpu.memory_space<vmem>> -> memref<128x64xf32, #tpu.memory_space<vmem>>
    tpu.enqueue_dma source(%dma_start3A_420 : memref<128x64xf32, #tpu.memory_space<vmem>>) target(%dma_start3A_416 : memref<128x64xf32, #tpu.memory_space<hbm>>) target_semaphore(%dma_start3A_412 : memref<!tpu.dma_semaphore, #tpu.memory_space<semaphore_mem>>)
    %dma_wait3A_421 = arith.constant 3 : i32
    %dma_wait3A_422 = arith.constant 3 : i32
    %dma_wait3A_423 = arith.constant 0 : i32
    %dma_wait3A_424 = arith.constant 0 : i32
    %dma_wait3A_425 = tpu.memref_slice %arg6[%dma_wait3A_421, %dma_wait3A_423, %dma_wait3A_424] : memref<5x128x128xf32, #tpu.memory_space<vmem>> -> memref<1x64x128xf32, #tpu.memory_space<vmem>>
    %dma_wait3A_426 = tpu.memref_squeeze %dma_wait3A_425 : memref<1x64x128xf32, #tpu.memory_space<vmem>> -> memref<64x128xf32, #tpu.memory_space<vmem>>
    %dma_wait3A_427 = arith.constant 0 : i32
    %dma_wait3A_428 = arith.constant 0 : i32
    %dma_wait3A_429 = tpu.memref_slice %arg3[%dma_wait3A_427, %dma_wait3A_428] : memref<1000000x128xf32, #tpu.memory_space<hbm>> -> memref<64x128xf32, #tpu.memory_space<hbm>>
    %dma_wait3A_430 = tpu.memref_slice %arg8[%dma_wait3A_422] : memref<5x!tpu.dma_semaphore, #tpu.memory_space<semaphore_mem>> -> memref<1x!tpu.dma_semaphore, #tpu.memory_space<semaphore_mem>>
    %dma_wait3A_431 = tpu.memref_squeeze %dma_wait3A_430 : memref<1x!tpu.dma_semaphore, #tpu.memory_space<semaphore_mem>> -> memref<!tpu.dma_semaphore, #tpu.memory_space<semaphore_mem>>
    %dma_wait3A_432 = arith.constant 0 : i32
    %dma_wait3A_433 = arith.constant 0 : i32
    %dma_wait3A_434 = tpu.memref_slice %arg6[%dma_wait3A_421, %dma_wait3A_432, %dma_wait3A_433] : memref<5x128x128xf32, #tpu.memory_space<vmem>> -> memref<1x64x128xf32, #tpu.memory_space<vmem>>
    %dma_wait3A_435 = tpu.memref_squeeze %dma_wait3A_434 : memref<1x64x128xf32, #tpu.memory_space<vmem>> -> memref<64x128xf32, #tpu.memory_space<vmem>>
    %dma_wait3A_436 = arith.constant 0 : i32
    %dma_wait3A_437 = arith.constant 0 : i32
    %dma_wait3A_438 = tpu.memref_slice %arg3[%dma_wait3A_436, %dma_wait3A_437] : memref<1000000x128xf32, #tpu.memory_space<hbm>> -> memref<64x128xf32, #tpu.memory_space<hbm>>
    tpu.wait_dma2 semaphore(%dma_wait3A_431 : memref<!tpu.dma_semaphore, #tpu.memory_space<semaphore_mem>>) src(%dma_wait3A_438 : memref<64x128xf32, #tpu.memory_space<hbm>>) dst(%dma_wait3A_435 : memref<64x128xf32, #tpu.memory_space<vmem>>)
    %dma_start3A_439 = arith.constant 198 : i32
    %dma_start3A_440 = arith.constant 3 : i32
    %dma_start3A_441 = arith.constant 3 : i32
    %dma_start3A_442 = arith.constant 0 : i32
    %dma_start3A_443 = arith.constant 0 : i32
    %dma_start3A_444 = tpu.memref_slice %arg6[%dma_start3A_440, %dma_start3A_442, %dma_start3A_443] : memref<5x128x128xf32, #tpu.memory_space<vmem>> -> memref<1x128x128xf32, #tpu.memory_space<vmem>>
    %dma_start3A_445 = tpu.memref_squeeze %dma_start3A_444 : memref<1x128x128xf32, #tpu.memory_space<vmem>> -> memref<128x128xf32, #tpu.memory_space<vmem>>
    %dma_start3A_446 = arith.constant 0 : i32
    %dma_start3A_447 = tpu.memref_slice %arg5[%dma_start3A_439, %dma_start3A_446] : memref<200x128xi32, #tpu.memory_space<vmem>> -> memref<1x128xi32, #tpu.memory_space<vmem>>
    %dma_start3A_448 = tpu.memref_squeeze %dma_start3A_447 : memref<1x128xi32, #tpu.memory_space<vmem>> -> memref<128xi32, #tpu.memory_space<vmem>>
    %dma_start3A_449 = arith.constant 0 : i32
    %dma_start3A_450 = arith.constant 0 : i32
    %dma_start3A_451 = tpu.memref_slice %arg3[%dma_start3A_449, %dma_start3A_450] : memref<1000000x128xf32, #tpu.memory_space<hbm>> -> memref<1000000x128xf32, #tpu.memory_space<hbm>>
    %dma_start3A_452 = tpu.memref_slice %arg7[%dma_start3A_441] : memref<5x!tpu.dma_semaphore, #tpu.memory_space<semaphore_mem>> -> memref<1x!tpu.dma_semaphore, #tpu.memory_space<semaphore_mem>>
    %dma_start3A_453 = tpu.memref_squeeze %dma_start3A_452 : memref<1x!tpu.dma_semaphore, #tpu.memory_space<semaphore_mem>> -> memref<!tpu.dma_semaphore, #tpu.memory_space<semaphore_mem>>
    tpu.enqueue_indirect_dma source(%dma_start3A_451 : memref<1000000x128xf32, #tpu.memory_space<hbm>>) target(%dma_start3A_445 : memref<128x128xf32, #tpu.memory_space<vmem>>) offsets(%dma_start3A_448 : memref<128xi32, #tpu.memory_space<vmem>>) semaphore(%dma_start3A_453 : memref<!tpu.dma_semaphore, #tpu.memory_space<semaphore_mem>>)
    %dma_wait3A_454 = arith.constant 1 : i32
    %dma_wait3A_455 = arith.constant 1 : i32
    %dma_wait3A_456 = arith.constant 0 : i32
    %dma_wait3A_457 = arith.constant 0 : i32
    %dma_wait3A_458 = tpu.memref_slice %arg6[%dma_wait3A_454, %dma_wait3A_456, %dma_wait3A_457] : memref<5x128x128xf32, #tpu.memory_space<vmem>> -> memref<1x128x128xf32, #tpu.memory_space<vmem>>
    %dma_wait3A_459 = tpu.memref_squeeze %dma_wait3A_458 : memref<1x128x128xf32, #tpu.memory_space<vmem>> -> memref<128x128xf32, #tpu.memory_space<vmem>>
    %dma_wait3A_460 = arith.constant 0 : i32
    %dma_wait3A_461 = arith.constant 0 : i32
    %dma_wait3A_462 = tpu.memref_slice %arg3[%dma_wait3A_460, %dma_wait3A_461] : memref<1000000x128xf32, #tpu.memory_space<hbm>> -> memref<128x128xf32, #tpu.memory_space<hbm>>
    %dma_wait3A_463 = tpu.memref_slice %arg7[%dma_wait3A_455] : memref<5x!tpu.dma_semaphore, #tpu.memory_space<semaphore_mem>> -> memref<1x!tpu.dma_semaphore, #tpu.memory_space<semaphore_mem>>
    %dma_wait3A_464 = tpu.memref_squeeze %dma_wait3A_463 : memref<1x!tpu.dma_semaphore, #tpu.memory_space<semaphore_mem>> -> memref<!tpu.dma_semaphore, #tpu.memory_space<semaphore_mem>>
    %dma_wait3A_465 = arith.constant 0 : i32
    %dma_wait3A_466 = arith.constant 0 : i32
    %dma_wait3A_467 = tpu.memref_slice %arg6[%dma_wait3A_454, %dma_wait3A_465, %dma_wait3A_466] : memref<5x128x128xf32, #tpu.memory_space<vmem>> -> memref<1x128x128xf32, #tpu.memory_space<vmem>>
    %dma_wait3A_468 = tpu.memref_squeeze %dma_wait3A_467 : memref<1x128x128xf32, #tpu.memory_space<vmem>> -> memref<128x128xf32, #tpu.memory_space<vmem>>
    %dma_wait3A_469 = arith.constant 0 : i32
    %dma_wait3A_470 = arith.constant 0 : i32
    %dma_wait3A_471 = tpu.memref_slice %arg3[%dma_wait3A_469, %dma_wait3A_470] : memref<1000000x128xf32, #tpu.memory_space<hbm>> -> memref<128x128xf32, #tpu.memory_space<hbm>>
    tpu.wait_dma2 semaphore(%dma_wait3A_464 : memref<!tpu.dma_semaphore, #tpu.memory_space<semaphore_mem>>) src(%dma_wait3A_471 : memref<128x128xf32, #tpu.memory_space<hbm>>) dst(%dma_wait3A_468 : memref<128x128xf32, #tpu.memory_space<vmem>>)
    %add3A_472 = arith.constant 196 : i32
    %add3A_473 = arith.addi %mul3A_2, %add3A_472 : i32
    %dma_start3A_474 = arith.constant 1 : i32
    %dma_start3A_475 = arith.constant 1 : i32
    %dma_start3A_476 = arith.constant 0 : i32
    %dma_start3A_477 = arith.constant 0 : i32
    %dma_start3A_478 = tpu.memref_slice %arg6[%dma_start3A_474, %dma_start3A_476, %dma_start3A_477] : memref<5x128x128xf32, #tpu.memory_space<vmem>> -> memref<1x128x64xf32, #tpu.memory_space<vmem>>
    %dma_start3A_479 = tpu.memref_squeeze %dma_start3A_478 : memref<1x128x64xf32, #tpu.memory_space<vmem>> -> memref<128x64xf32, #tpu.memory_space<vmem>>
    %dma_start3A_480 = arith.constant 0 : i32
    %dma_start3A_481 = arith.constant 0 : i32
    %dma_start3A_482 = tpu.memref_slice %arg4[%add3A_473, %dma_start3A_480, %dma_start3A_481] : memref<6400x128x64xf32, #tpu.memory_space<hbm>> -> memref<1x128x64xf32, #tpu.memory_space<hbm>>
    %dma_start3A_483 = tpu.memref_squeeze %dma_start3A_482 : memref<1x128x64xf32, #tpu.memory_space<hbm>> -> memref<128x64xf32, #tpu.memory_space<hbm>>
    %dma_start3A_484 = tpu.memref_slice %arg8[%dma_start3A_475] : memref<5x!tpu.dma_semaphore, #tpu.memory_space<semaphore_mem>> -> memref<1x!tpu.dma_semaphore, #tpu.memory_space<semaphore_mem>>
    %dma_start3A_485 = tpu.memref_squeeze %dma_start3A_484 : memref<1x!tpu.dma_semaphore, #tpu.memory_space<semaphore_mem>> -> memref<!tpu.dma_semaphore, #tpu.memory_space<semaphore_mem>>
    %dma_start3A_486 = arith.constant 0 : i32
    %dma_start3A_487 = arith.constant 0 : i32
    %dma_start3A_488 = tpu.memref_slice %arg4[%add3A_473, %dma_start3A_486, %dma_start3A_487] : memref<6400x128x64xf32, #tpu.memory_space<hbm>> -> memref<1x128x64xf32, #tpu.memory_space<hbm>>
    %dma_start3A_489 = tpu.memref_squeeze %dma_start3A_488 : memref<1x128x64xf32, #tpu.memory_space<hbm>> -> memref<128x64xf32, #tpu.memory_space<hbm>>
    %dma_start3A_490 = arith.constant 0 : i32
    %dma_start3A_491 = arith.constant 0 : i32
    %dma_start3A_492 = tpu.memref_slice %arg6[%dma_start3A_474, %dma_start3A_490, %dma_start3A_491] : memref<5x128x128xf32, #tpu.memory_space<vmem>> -> memref<1x128x64xf32, #tpu.memory_space<vmem>>
    %dma_start3A_493 = tpu.memref_squeeze %dma_start3A_492 : memref<1x128x64xf32, #tpu.memory_space<vmem>> -> memref<128x64xf32, #tpu.memory_space<vmem>>
    tpu.enqueue_dma source(%dma_start3A_493 : memref<128x64xf32, #tpu.memory_space<vmem>>) target(%dma_start3A_489 : memref<128x64xf32, #tpu.memory_space<hbm>>) target_semaphore(%dma_start3A_485 : memref<!tpu.dma_semaphore, #tpu.memory_space<semaphore_mem>>)
    %dma_wait3A_494 = arith.constant 4 : i32
    %dma_wait3A_495 = arith.constant 4 : i32
    %dma_wait3A_496 = arith.constant 0 : i32
    %dma_wait3A_497 = arith.constant 0 : i32
    %dma_wait3A_498 = tpu.memref_slice %arg6[%dma_wait3A_494, %dma_wait3A_496, %dma_wait3A_497] : memref<5x128x128xf32, #tpu.memory_space<vmem>> -> memref<1x64x128xf32, #tpu.memory_space<vmem>>
    %dma_wait3A_499 = tpu.memref_squeeze %dma_wait3A_498 : memref<1x64x128xf32, #tpu.memory_space<vmem>> -> memref<64x128xf32, #tpu.memory_space<vmem>>
    %dma_wait3A_500 = arith.constant 0 : i32
    %dma_wait3A_501 = arith.constant 0 : i32
    %dma_wait3A_502 = tpu.memref_slice %arg3[%dma_wait3A_500, %dma_wait3A_501] : memref<1000000x128xf32, #tpu.memory_space<hbm>> -> memref<64x128xf32, #tpu.memory_space<hbm>>
    %dma_wait3A_503 = tpu.memref_slice %arg8[%dma_wait3A_495] : memref<5x!tpu.dma_semaphore, #tpu.memory_space<semaphore_mem>> -> memref<1x!tpu.dma_semaphore, #tpu.memory_space<semaphore_mem>>
    %dma_wait3A_504 = tpu.memref_squeeze %dma_wait3A_503 : memref<1x!tpu.dma_semaphore, #tpu.memory_space<semaphore_mem>> -> memref<!tpu.dma_semaphore, #tpu.memory_space<semaphore_mem>>
    %dma_wait3A_505 = arith.constant 0 : i32
    %dma_wait3A_506 = arith.constant 0 : i32
    %dma_wait3A_507 = tpu.memref_slice %arg6[%dma_wait3A_494, %dma_wait3A_505, %dma_wait3A_506] : memref<5x128x128xf32, #tpu.memory_space<vmem>> -> memref<1x64x128xf32, #tpu.memory_space<vmem>>
    %dma_wait3A_508 = tpu.memref_squeeze %dma_wait3A_507 : memref<1x64x128xf32, #tpu.memory_space<vmem>> -> memref<64x128xf32, #tpu.memory_space<vmem>>
    %dma_wait3A_509 = arith.constant 0 : i32
    %dma_wait3A_510 = arith.constant 0 : i32
    %dma_wait3A_511 = tpu.memref_slice %arg3[%dma_wait3A_509, %dma_wait3A_510] : memref<1000000x128xf32, #tpu.memory_space<hbm>> -> memref<64x128xf32, #tpu.memory_space<hbm>>
    tpu.wait_dma2 semaphore(%dma_wait3A_504 : memref<!tpu.dma_semaphore, #tpu.memory_space<semaphore_mem>>) src(%dma_wait3A_511 : memref<64x128xf32, #tpu.memory_space<hbm>>) dst(%dma_wait3A_508 : memref<64x128xf32, #tpu.memory_space<vmem>>)
    %dma_start3A_512 = arith.constant 199 : i32
    %dma_start3A_513 = arith.constant 4 : i32
    %dma_start3A_514 = arith.constant 4 : i32
    %dma_start3A_515 = arith.constant 0 : i32
    %dma_start3A_516 = arith.constant 0 : i32
    %dma_start3A_517 = tpu.memref_slice %arg6[%dma_start3A_513, %dma_start3A_515, %dma_start3A_516] : memref<5x128x128xf32, #tpu.memory_space<vmem>> -> memref<1x128x128xf32, #tpu.memory_space<vmem>>
    %dma_start3A_518 = tpu.memref_squeeze %dma_start3A_517 : memref<1x128x128xf32, #tpu.memory_space<vmem>> -> memref<128x128xf32, #tpu.memory_space<vmem>>
    %dma_start3A_519 = arith.constant 0 : i32
    %dma_start3A_520 = tpu.memref_slice %arg5[%dma_start3A_512, %dma_start3A_519] : memref<200x128xi32, #tpu.memory_space<vmem>> -> memref<1x128xi32, #tpu.memory_space<vmem>>
    %dma_start3A_521 = tpu.memref_squeeze %dma_start3A_520 : memref<1x128xi32, #tpu.memory_space<vmem>> -> memref<128xi32, #tpu.memory_space<vmem>>
    %dma_start3A_522 = arith.constant 0 : i32
    %dma_start3A_523 = arith.constant 0 : i32
    %dma_start3A_524 = tpu.memref_slice %arg3[%dma_start3A_522, %dma_start3A_523] : memref<1000000x128xf32, #tpu.memory_space<hbm>> -> memref<1000000x128xf32, #tpu.memory_space<hbm>>
    %dma_start3A_525 = tpu.memref_slice %arg7[%dma_start3A_514] : memref<5x!tpu.dma_semaphore, #tpu.memory_space<semaphore_mem>> -> memref<1x!tpu.dma_semaphore, #tpu.memory_space<semaphore_mem>>
    %dma_start3A_526 = tpu.memref_squeeze %dma_start3A_525 : memref<1x!tpu.dma_semaphore, #tpu.memory_space<semaphore_mem>> -> memref<!tpu.dma_semaphore, #tpu.memory_space<semaphore_mem>>
    tpu.enqueue_indirect_dma source(%dma_start3A_524 : memref<1000000x128xf32, #tpu.memory_space<hbm>>) target(%dma_start3A_518 : memref<128x128xf32, #tpu.memory_space<vmem>>) offsets(%dma_start3A_521 : memref<128xi32, #tpu.memory_space<vmem>>) semaphore(%dma_start3A_526 : memref<!tpu.dma_semaphore, #tpu.memory_space<semaphore_mem>>)
    %dma_wait3A_527 = arith.constant 2 : i32
    %dma_wait3A_528 = arith.constant 2 : i32
    %dma_wait3A_529 = arith.constant 0 : i32
    %dma_wait3A_530 = arith.constant 0 : i32
    %dma_wait3A_531 = tpu.memref_slice %arg6[%dma_wait3A_527, %dma_wait3A_529, %dma_wait3A_530] : memref<5x128x128xf32, #tpu.memory_space<vmem>> -> memref<1x128x128xf32, #tpu.memory_space<vmem>>
    %dma_wait3A_532 = tpu.memref_squeeze %dma_wait3A_531 : memref<1x128x128xf32, #tpu.memory_space<vmem>> -> memref<128x128xf32, #tpu.memory_space<vmem>>
    %dma_wait3A_533 = arith.constant 0 : i32
    %dma_wait3A_534 = arith.constant 0 : i32
    %dma_wait3A_535 = tpu.memref_slice %arg3[%dma_wait3A_533, %dma_wait3A_534] : memref<1000000x128xf32, #tpu.memory_space<hbm>> -> memref<128x128xf32, #tpu.memory_space<hbm>>
    %dma_wait3A_536 = tpu.memref_slice %arg7[%dma_wait3A_528] : memref<5x!tpu.dma_semaphore, #tpu.memory_space<semaphore_mem>> -> memref<1x!tpu.dma_semaphore, #tpu.memory_space<semaphore_mem>>
    %dma_wait3A_537 = tpu.memref_squeeze %dma_wait3A_536 : memref<1x!tpu.dma_semaphore, #tpu.memory_space<semaphore_mem>> -> memref<!tpu.dma_semaphore, #tpu.memory_space<semaphore_mem>>
    %dma_wait3A_538 = arith.constant 0 : i32
    %dma_wait3A_539 = arith.constant 0 : i32
    %dma_wait3A_540 = tpu.memref_slice %arg6[%dma_wait3A_527, %dma_wait3A_538, %dma_wait3A_539] : memref<5x128x128xf32, #tpu.memory_space<vmem>> -> memref<1x128x128xf32, #tpu.memory_space<vmem>>
    %dma_wait3A_541 = tpu.memref_squeeze %dma_wait3A_540 : memref<1x128x128xf32, #tpu.memory_space<vmem>> -> memref<128x128xf32, #tpu.memory_space<vmem>>
    %dma_wait3A_542 = arith.constant 0 : i32
    %dma_wait3A_543 = arith.constant 0 : i32
    %dma_wait3A_544 = tpu.memref_slice %arg3[%dma_wait3A_542, %dma_wait3A_543] : memref<1000000x128xf32, #tpu.memory_space<hbm>> -> memref<128x128xf32, #tpu.memory_space<hbm>>
    tpu.wait_dma2 semaphore(%dma_wait3A_537 : memref<!tpu.dma_semaphore, #tpu.memory_space<semaphore_mem>>) src(%dma_wait3A_544 : memref<128x128xf32, #tpu.memory_space<hbm>>) dst(%dma_wait3A_541 : memref<128x128xf32, #tpu.memory_space<vmem>>)
    %add3A_545 = arith.constant 197 : i32
    %add3A_546 = arith.addi %mul3A_2, %add3A_545 : i32
    %dma_start3A_547 = arith.constant 2 : i32
    %dma_start3A_548 = arith.constant 2 : i32
    %dma_start3A_549 = arith.constant 0 : i32
    %dma_start3A_550 = arith.constant 0 : i32
    %dma_start3A_551 = tpu.memref_slice %arg6[%dma_start3A_547, %dma_start3A_549, %dma_start3A_550] : memref<5x128x128xf32, #tpu.memory_space<vmem>> -> memref<1x128x64xf32, #tpu.memory_space<vmem>>
    %dma_start3A_552 = tpu.memref_squeeze %dma_start3A_551 : memref<1x128x64xf32, #tpu.memory_space<vmem>> -> memref<128x64xf32, #tpu.memory_space<vmem>>
    %dma_start3A_553 = arith.constant 0 : i32
    %dma_start3A_554 = arith.constant 0 : i32
    %dma_start3A_555 = tpu.memref_slice %arg4[%add3A_546, %dma_start3A_553, %dma_start3A_554] : memref<6400x128x64xf32, #tpu.memory_space<hbm>> -> memref<1x128x64xf32, #tpu.memory_space<hbm>>
    %dma_start3A_556 = tpu.memref_squeeze %dma_start3A_555 : memref<1x128x64xf32, #tpu.memory_space<hbm>> -> memref<128x64xf32, #tpu.memory_space<hbm>>
    %dma_start3A_557 = tpu.memref_slice %arg8[%dma_start3A_548] : memref<5x!tpu.dma_semaphore, #tpu.memory_space<semaphore_mem>> -> memref<1x!tpu.dma_semaphore, #tpu.memory_space<semaphore_mem>>
    %dma_start3A_558 = tpu.memref_squeeze %dma_start3A_557 : memref<1x!tpu.dma_semaphore, #tpu.memory_space<semaphore_mem>> -> memref<!tpu.dma_semaphore, #tpu.memory_space<semaphore_mem>>
    %dma_start3A_559 = arith.constant 0 : i32
    %dma_start3A_560 = arith.constant 0 : i32
    %dma_start3A_561 = tpu.memref_slice %arg4[%add3A_546, %dma_start3A_559, %dma_start3A_560] : memref<6400x128x64xf32, #tpu.memory_space<hbm>> -> memref<1x128x64xf32, #tpu.memory_space<hbm>>
    %dma_start3A_562 = tpu.memref_squeeze %dma_start3A_561 : memref<1x128x64xf32, #tpu.memory_space<hbm>> -> memref<128x64xf32, #tpu.memory_space<hbm>>
    %dma_start3A_563 = arith.constant 0 : i32
    %dma_start3A_564 = arith.constant 0 : i32
    %dma_start3A_565 = tpu.memref_slice %arg6[%dma_start3A_547, %dma_start3A_563, %dma_start3A_564] : memref<5x128x128xf32, #tpu.memory_space<vmem>> -> memref<1x128x64xf32, #tpu.memory_space<vmem>>
    %dma_start3A_566 = tpu.memref_squeeze %dma_start3A_565 : memref<1x128x64xf32, #tpu.memory_space<vmem>> -> memref<128x64xf32, #tpu.memory_space<vmem>>
    tpu.enqueue_dma source(%dma_start3A_566 : memref<128x64xf32, #tpu.memory_space<vmem>>) target(%dma_start3A_562 : memref<128x64xf32, #tpu.memory_space<hbm>>) target_semaphore(%dma_start3A_558 : memref<!tpu.dma_semaphore, #tpu.memory_space<semaphore_mem>>)
    %dma_wait3A_567 = arith.constant 3 : i32
    %dma_wait3A_568 = arith.constant 3 : i32
    %dma_wait3A_569 = arith.constant 0 : i32
    %dma_wait3A_570 = arith.constant 0 : i32
    %dma_wait3A_571 = tpu.memref_slice %arg6[%dma_wait3A_567, %dma_wait3A_569, %dma_wait3A_570] : memref<5x128x128xf32, #tpu.memory_space<vmem>> -> memref<1x128x128xf32, #tpu.memory_space<vmem>>
    %dma_wait3A_572 = tpu.memref_squeeze %dma_wait3A_571 : memref<1x128x128xf32, #tpu.memory_space<vmem>> -> memref<128x128xf32, #tpu.memory_space<vmem>>
    %dma_wait3A_573 = arith.constant 0 : i32
    %dma_wait3A_574 = arith.constant 0 : i32
    %dma_wait3A_575 = tpu.memref_slice %arg3[%dma_wait3A_573, %dma_wait3A_574] : memref<1000000x128xf32, #tpu.memory_space<hbm>> -> memref<128x128xf32, #tpu.memory_space<hbm>>
    %dma_wait3A_576 = tpu.memref_slice %arg7[%dma_wait3A_568] : memref<5x!tpu.dma_semaphore, #tpu.memory_space<semaphore_mem>> -> memref<1x!tpu.dma_semaphore, #tpu.memory_space<semaphore_mem>>
    %dma_wait3A_577 = tpu.memref_squeeze %dma_wait3A_576 : memref<1x!tpu.dma_semaphore, #tpu.memory_space<semaphore_mem>> -> memref<!tpu.dma_semaphore, #tpu.memory_space<semaphore_mem>>
    %dma_wait3A_578 = arith.constant 0 : i32
    %dma_wait3A_579 = arith.constant 0 : i32
    %dma_wait3A_580 = tpu.memref_slice %arg6[%dma_wait3A_567, %dma_wait3A_578, %dma_wait3A_579] : memref<5x128x128xf32, #tpu.memory_space<vmem>> -> memref<1x128x128xf32, #tpu.memory_space<vmem>>
    %dma_wait3A_581 = tpu.memref_squeeze %dma_wait3A_580 : memref<1x128x128xf32, #tpu.memory_space<vmem>> -> memref<128x128xf32, #tpu.memory_space<vmem>>
    %dma_wait3A_582 = arith.constant 0 : i32
    %dma_wait3A_583 = arith.constant 0 : i32
    %dma_wait3A_584 = tpu.memref_slice %arg3[%dma_wait3A_582, %dma_wait3A_583] : memref<1000000x128xf32, #tpu.memory_space<hbm>> -> memref<128x128xf32, #tpu.memory_space<hbm>>
    tpu.wait_dma2 semaphore(%dma_wait3A_577 : memref<!tpu.dma_semaphore, #tpu.memory_space<semaphore_mem>>) src(%dma_wait3A_584 : memref<128x128xf32, #tpu.memory_space<hbm>>) dst(%dma_wait3A_581 : memref<128x128xf32, #tpu.memory_space<vmem>>)
    %add3A_585 = arith.constant 198 : i32
    %add3A_586 = arith.addi %mul3A_2, %add3A_585 : i32
    %dma_start3A_587 = arith.constant 3 : i32
    %dma_start3A_588 = arith.constant 3 : i32
    %dma_start3A_589 = arith.constant 0 : i32
    %dma_start3A_590 = arith.constant 0 : i32
    %dma_start3A_591 = tpu.memref_slice %arg6[%dma_start3A_587, %dma_start3A_589, %dma_start3A_590] : memref<5x128x128xf32, #tpu.memory_space<vmem>> -> memref<1x128x64xf32, #tpu.memory_space<vmem>>
    %dma_start3A_592 = tpu.memref_squeeze %dma_start3A_591 : memref<1x128x64xf32, #tpu.memory_space<vmem>> -> memref<128x64xf32, #tpu.memory_space<vmem>>
    %dma_start3A_593 = arith.constant 0 : i32
    %dma_start3A_594 = arith.constant 0 : i32
    %dma_start3A_595 = tpu.memref_slice %arg4[%add3A_586, %dma_start3A_593, %dma_start3A_594] : memref<6400x128x64xf32, #tpu.memory_space<hbm>> -> memref<1x128x64xf32, #tpu.memory_space<hbm>>
    %dma_start3A_596 = tpu.memref_squeeze %dma_start3A_595 : memref<1x128x64xf32, #tpu.memory_space<hbm>> -> memref<128x64xf32, #tpu.memory_space<hbm>>
    %dma_start3A_597 = tpu.memref_slice %arg8[%dma_start3A_588] : memref<5x!tpu.dma_semaphore, #tpu.memory_space<semaphore_mem>> -> memref<1x!tpu.dma_semaphore, #tpu.memory_space<semaphore_mem>>
    %dma_start3A_598 = tpu.memref_squeeze %dma_start3A_597 : memref<1x!tpu.dma_semaphore, #tpu.memory_space<semaphore_mem>> -> memref<!tpu.dma_semaphore, #tpu.memory_space<semaphore_mem>>
    %dma_start3A_599 = arith.constant 0 : i32
    %dma_start3A_600 = arith.constant 0 : i32
    %dma_start3A_601 = tpu.memref_slice %arg4[%add3A_586, %dma_start3A_599, %dma_start3A_600] : memref<6400x128x64xf32, #tpu.memory_space<hbm>> -> memref<1x128x64xf32, #tpu.memory_space<hbm>>
    %dma_start3A_602 = tpu.memref_squeeze %dma_start3A_601 : memref<1x128x64xf32, #tpu.memory_space<hbm>> -> memref<128x64xf32, #tpu.memory_space<hbm>>
    %dma_start3A_603 = arith.constant 0 : i32
    %dma_start3A_604 = arith.constant 0 : i32
    %dma_start3A_605 = tpu.memref_slice %arg6[%dma_start3A_587, %dma_start3A_603, %dma_start3A_604] : memref<5x128x128xf32, #tpu.memory_space<vmem>> -> memref<1x128x64xf32, #tpu.memory_space<vmem>>
    %dma_start3A_606 = tpu.memref_squeeze %dma_start3A_605 : memref<1x128x64xf32, #tpu.memory_space<vmem>> -> memref<128x64xf32, #tpu.memory_space<vmem>>
    tpu.enqueue_dma source(%dma_start3A_606 : memref<128x64xf32, #tpu.memory_space<vmem>>) target(%dma_start3A_602 : memref<128x64xf32, #tpu.memory_space<hbm>>) target_semaphore(%dma_start3A_598 : memref<!tpu.dma_semaphore, #tpu.memory_space<semaphore_mem>>)
    %dma_wait3A_607 = arith.constant 4 : i32
    %dma_wait3A_608 = arith.constant 4 : i32
    %dma_wait3A_609 = arith.constant 0 : i32
    %dma_wait3A_610 = arith.constant 0 : i32
    %dma_wait3A_611 = tpu.memref_slice %arg6[%dma_wait3A_607, %dma_wait3A_609, %dma_wait3A_610] : memref<5x128x128xf32, #tpu.memory_space<vmem>> -> memref<1x128x128xf32, #tpu.memory_space<vmem>>
    %dma_wait3A_612 = tpu.memref_squeeze %dma_wait3A_611 : memref<1x128x128xf32, #tpu.memory_space<vmem>> -> memref<128x128xf32, #tpu.memory_space<vmem>>
    %dma_wait3A_613 = arith.constant 0 : i32
    %dma_wait3A_614 = arith.constant 0 : i32
    %dma_wait3A_615 = tpu.memref_slice %arg3[%dma_wait3A_613, %dma_wait3A_614] : memref<1000000x128xf32, #tpu.memory_space<hbm>> -> memref<128x128xf32, #tpu.memory_space<hbm>>
    %dma_wait3A_616 = tpu.memref_slice %arg7[%dma_wait3A_608] : memref<5x!tpu.dma_semaphore, #tpu.memory_space<semaphore_mem>> -> memref<1x!tpu.dma_semaphore, #tpu.memory_space<semaphore_mem>>
    %dma_wait3A_617 = tpu.memref_squeeze %dma_wait3A_616 : memref<1x!tpu.dma_semaphore, #tpu.memory_space<semaphore_mem>> -> memref<!tpu.dma_semaphore, #tpu.memory_space<semaphore_mem>>
    %dma_wait3A_618 = arith.constant 0 : i32
    %dma_wait3A_619 = arith.constant 0 : i32
    %dma_wait3A_620 = tpu.memref_slice %arg6[%dma_wait3A_607, %dma_wait3A_618, %dma_wait3A_619] : memref<5x128x128xf32, #tpu.memory_space<vmem>> -> memref<1x128x128xf32, #tpu.memory_space<vmem>>
    %dma_wait3A_621 = tpu.memref_squeeze %dma_wait3A_620 : memref<1x128x128xf32, #tpu.memory_space<vmem>> -> memref<128x128xf32, #tpu.memory_space<vmem>>
    %dma_wait3A_622 = arith.constant 0 : i32
    %dma_wait3A_623 = arith.constant 0 : i32
    %dma_wait3A_624 = tpu.memref_slice %arg3[%dma_wait3A_622, %dma_wait3A_623] : memref<1000000x128xf32, #tpu.memory_space<hbm>> -> memref<128x128xf32, #tpu.memory_space<hbm>>
    tpu.wait_dma2 semaphore(%dma_wait3A_617 : memref<!tpu.dma_semaphore, #tpu.memory_space<semaphore_mem>>) src(%dma_wait3A_624 : memref<128x128xf32, #tpu.memory_space<hbm>>) dst(%dma_wait3A_621 : memref<128x128xf32, #tpu.memory_space<vmem>>)
    %add3A_625 = arith.constant 199 : i32
    %add3A_626 = arith.addi %mul3A_2, %add3A_625 : i32
    %dma_start3A_627 = arith.constant 4 : i32
    %dma_start3A_628 = arith.constant 4 : i32
    %dma_start3A_629 = arith.constant 0 : i32
    %dma_start3A_630 = arith.constant 0 : i32
    %dma_start3A_631 = tpu.memref_slice %arg6[%dma_start3A_627, %dma_start3A_629, %dma_start3A_630] : memref<5x128x128xf32, #tpu.memory_space<vmem>> -> memref<1x128x64xf32, #tpu.memory_space<vmem>>
    %dma_start3A_632 = tpu.memref_squeeze %dma_start3A_631 : memref<1x128x64xf32, #tpu.memory_space<vmem>> -> memref<128x64xf32, #tpu.memory_space<vmem>>
    %dma_start3A_633 = arith.constant 0 : i32
    %dma_start3A_634 = arith.constant 0 : i32
    %dma_start3A_635 = tpu.memref_slice %arg4[%add3A_626, %dma_start3A_633, %dma_start3A_634] : memref<6400x128x64xf32, #tpu.memory_space<hbm>> -> memref<1x128x64xf32, #tpu.memory_space<hbm>>
    %dma_start3A_636 = tpu.memref_squeeze %dma_start3A_635 : memref<1x128x64xf32, #tpu.memory_space<hbm>> -> memref<128x64xf32, #tpu.memory_space<hbm>>
    %dma_start3A_637 = tpu.memref_slice %arg8[%dma_start3A_628] : memref<5x!tpu.dma_semaphore, #tpu.memory_space<semaphore_mem>> -> memref<1x!tpu.dma_semaphore, #tpu.memory_space<semaphore_mem>>
    %dma_start3A_638 = tpu.memref_squeeze %dma_start3A_637 : memref<1x!tpu.dma_semaphore, #tpu.memory_space<semaphore_mem>> -> memref<!tpu.dma_semaphore, #tpu.memory_space<semaphore_mem>>
    %dma_start3A_639 = arith.constant 0 : i32
    %dma_start3A_640 = arith.constant 0 : i32
    %dma_start3A_641 = tpu.memref_slice %arg4[%add3A_626, %dma_start3A_639, %dma_start3A_640] : memref<6400x128x64xf32, #tpu.memory_space<hbm>> -> memref<1x128x64xf32, #tpu.memory_space<hbm>>
    %dma_start3A_642 = tpu.memref_squeeze %dma_start3A_641 : memref<1x128x64xf32, #tpu.memory_space<hbm>> -> memref<128x64xf32, #tpu.memory_space<hbm>>
    %dma_start3A_643 = arith.constant 0 : i32
    %dma_start3A_644 = arith.constant 0 : i32
    %dma_start3A_645 = tpu.memref_slice %arg6[%dma_start3A_627, %dma_start3A_643, %dma_start3A_644] : memref<5x128x128xf32, #tpu.memory_space<vmem>> -> memref<1x128x64xf32, #tpu.memory_space<vmem>>
    %dma_start3A_646 = tpu.memref_squeeze %dma_start3A_645 : memref<1x128x64xf32, #tpu.memory_space<vmem>> -> memref<128x64xf32, #tpu.memory_space<vmem>>
    tpu.enqueue_dma source(%dma_start3A_646 : memref<128x64xf32, #tpu.memory_space<vmem>>) target(%dma_start3A_642 : memref<128x64xf32, #tpu.memory_space<hbm>>) target_semaphore(%dma_start3A_638 : memref<!tpu.dma_semaphore, #tpu.memory_space<semaphore_mem>>)
    %dma_wait3A_647 = arith.constant 0 : i32
    %dma_wait3A_648 = arith.constant 0 : i32
    %dma_wait3A_649 = arith.constant 0 : i32
    %dma_wait3A_650 = arith.constant 0 : i32
    %dma_wait3A_651 = tpu.memref_slice %arg6[%dma_wait3A_647, %dma_wait3A_649, %dma_wait3A_650] : memref<5x128x128xf32, #tpu.memory_space<vmem>> -> memref<1x64x128xf32, #tpu.memory_space<vmem>>
    %dma_wait3A_652 = tpu.memref_squeeze %dma_wait3A_651 : memref<1x64x128xf32, #tpu.memory_space<vmem>> -> memref<64x128xf32, #tpu.memory_space<vmem>>
    %dma_wait3A_653 = arith.constant 0 : i32
    %dma_wait3A_654 = arith.constant 0 : i32
    %dma_wait3A_655 = tpu.memref_slice %arg3[%dma_wait3A_653, %dma_wait3A_654] : memref<1000000x128xf32, #tpu.memory_space<hbm>> -> memref<64x128xf32, #tpu.memory_space<hbm>>
    %dma_wait3A_656 = tpu.memref_slice %arg8[%dma_wait3A_648] : memref<5x!tpu.dma_semaphore, #tpu.memory_space<semaphore_mem>> -> memref<1x!tpu.dma_semaphore, #tpu.memory_space<semaphore_mem>>
    %dma_wait3A_657 = tpu.memref_squeeze %dma_wait3A_656 : memref<1x!tpu.dma_semaphore, #tpu.memory_space<semaphore_mem>> -> memref<!tpu.dma_semaphore, #tpu.memory_space<semaphore_mem>>
    %dma_wait3A_658 = arith.constant 0 : i32
    %dma_wait3A_659 = arith.constant 0 : i32
    %dma_wait3A_660 = tpu.memref_slice %arg6[%dma_wait3A_647, %dma_wait3A_658, %dma_wait3A_659] : memref<5x128x128xf32, #tpu.memory_space<vmem>> -> memref<1x64x128xf32, #tpu.memory_space<vmem>>
    %dma_wait3A_661 = tpu.memref_squeeze %dma_wait3A_660 : memref<1x64x128xf32, #tpu.memory_space<vmem>> -> memref<64x128xf32, #tpu.memory_space<vmem>>
    %dma_wait3A_662 = arith.constant 0 : i32
    %dma_wait3A_663 = arith.constant 0 : i32
    %dma_wait3A_664 = tpu.memref_slice %arg3[%dma_wait3A_662, %dma_wait3A_663] : memref<1000000x128xf32, #tpu.memory_space<hbm>> -> memref<64x128xf32, #tpu.memory_space<hbm>>
    tpu.wait_dma2 semaphore(%dma_wait3A_657 : memref<!tpu.dma_semaphore, #tpu.memory_space<semaphore_mem>>) src(%dma_wait3A_664 : memref<64x128xf32, #tpu.memory_space<hbm>>) dst(%dma_wait3A_661 : memref<64x128xf32, #tpu.memory_space<vmem>>)
    %dma_wait3A_665 = arith.constant 1 : i32
    %dma_wait3A_666 = arith.constant 1 : i32
    %dma_wait3A_667 = arith.constant 0 : i32
    %dma_wait3A_668 = arith.constant 0 : i32
    %dma_wait3A_669 = tpu.memref_slice %arg6[%dma_wait3A_665, %dma_wait3A_667, %dma_wait3A_668] : memref<5x128x128xf32, #tpu.memory_space<vmem>> -> memref<1x64x128xf32, #tpu.memory_space<vmem>>
    %dma_wait3A_670 = tpu.memref_squeeze %dma_wait3A_669 : memref<1x64x128xf32, #tpu.memory_space<vmem>> -> memref<64x128xf32, #tpu.memory_space<vmem>>
    %dma_wait3A_671 = arith.constant 0 : i32
    %dma_wait3A_672 = arith.constant 0 : i32
    %dma_wait3A_673 = tpu.memref_slice %arg3[%dma_wait3A_671, %dma_wait3A_672] : memref<1000000x128xf32, #tpu.memory_space<hbm>> -> memref<64x128xf32, #tpu.memory_space<hbm>>
    %dma_wait3A_674 = tpu.memref_slice %arg8[%dma_wait3A_666] : memref<5x!tpu.dma_semaphore, #tpu.memory_space<semaphore_mem>> -> memref<1x!tpu.dma_semaphore, #tpu.memory_space<semaphore_mem>>
    %dma_wait3A_675 = tpu.memref_squeeze %dma_wait3A_674 : memref<1x!tpu.dma_semaphore, #tpu.memory_space<semaphore_mem>> -> memref<!tpu.dma_semaphore, #tpu.memory_space<semaphore_mem>>
    %dma_wait3A_676 = arith.constant 0 : i32
    %dma_wait3A_677 = arith.constant 0 : i32
    %dma_wait3A_678 = tpu.memref_slice %arg6[%dma_wait3A_665, %dma_wait3A_676, %dma_wait3A_677] : memref<5x128x128xf32, #tpu.memory_space<vmem>> -> memref<1x64x128xf32, #tpu.memory_space<vmem>>
    %dma_wait3A_679 = tpu.memref_squeeze %dma_wait3A_678 : memref<1x64x128xf32, #tpu.memory_space<vmem>> -> memref<64x128xf32, #tpu.memory_space<vmem>>
    %dma_wait3A_680 = arith.constant 0 : i32
    %dma_wait3A_681 = arith.constant 0 : i32
    %dma_wait3A_682 = tpu.memref_slice %arg3[%dma_wait3A_680, %dma_wait3A_681] : memref<1000000x128xf32, #tpu.memory_space<hbm>> -> memref<64x128xf32, #tpu.memory_space<hbm>>
    tpu.wait_dma2 semaphore(%dma_wait3A_675 : memref<!tpu.dma_semaphore, #tpu.memory_space<semaphore_mem>>) src(%dma_wait3A_682 : memref<64x128xf32, #tpu.memory_space<hbm>>) dst(%dma_wait3A_679 : memref<64x128xf32, #tpu.memory_space<vmem>>)
    %dma_wait3A_683 = arith.constant 2 : i32
    %dma_wait3A_684 = arith.constant 2 : i32
    %dma_wait3A_685 = arith.constant 0 : i32
    %dma_wait3A_686 = arith.constant 0 : i32
    %dma_wait3A_687 = tpu.memref_slice %arg6[%dma_wait3A_683, %dma_wait3A_685, %dma_wait3A_686] : memref<5x128x128xf32, #tpu.memory_space<vmem>> -> memref<1x64x128xf32, #tpu.memory_space<vmem>>
    %dma_wait3A_688 = tpu.memref_squeeze %dma_wait3A_687 : memref<1x64x128xf32, #tpu.memory_space<vmem>> -> memref<64x128xf32, #tpu.memory_space<vmem>>
    %dma_wait3A_689 = arith.constant 0 : i32
    %dma_wait3A_690 = arith.constant 0 : i32
    %dma_wait3A_691 = tpu.memref_slice %arg3[%dma_wait3A_689, %dma_wait3A_690] : memref<1000000x128xf32, #tpu.memory_space<hbm>> -> memref<64x128xf32, #tpu.memory_space<hbm>>
    %dma_wait3A_692 = tpu.memref_slice %arg8[%dma_wait3A_684] : memref<5x!tpu.dma_semaphore, #tpu.memory_space<semaphore_mem>> -> memref<1x!tpu.dma_semaphore, #tpu.memory_space<semaphore_mem>>
    %dma_wait3A_693 = tpu.memref_squeeze %dma_wait3A_692 : memref<1x!tpu.dma_semaphore, #tpu.memory_space<semaphore_mem>> -> memref<!tpu.dma_semaphore, #tpu.memory_space<semaphore_mem>>
    %dma_wait3A_694 = arith.constant 0 : i32
    %dma_wait3A_695 = arith.constant 0 : i32
    %dma_wait3A_696 = tpu.memref_slice %arg6[%dma_wait3A_683, %dma_wait3A_694, %dma_wait3A_695] : memref<5x128x128xf32, #tpu.memory_space<vmem>> -> memref<1x64x128xf32, #tpu.memory_space<vmem>>
    %dma_wait3A_697 = tpu.memref_squeeze %dma_wait3A_696 : memref<1x64x128xf32, #tpu.memory_space<vmem>> -> memref<64x128xf32, #tpu.memory_space<vmem>>
    %dma_wait3A_698 = arith.constant 0 : i32
    %dma_wait3A_699 = arith.constant 0 : i32
    %dma_wait3A_700 = tpu.memref_slice %arg3[%dma_wait3A_698, %dma_wait3A_699] : memref<1000000x128xf32, #tpu.memory_space<hbm>> -> memref<64x128xf32, #tpu.memory_space<hbm>>
    tpu.wait_dma2 semaphore(%dma_wait3A_693 : memref<!tpu.dma_semaphore, #tpu.memory_space<semaphore_mem>>) src(%dma_wait3A_700 : memref<64x128xf32, #tpu.memory_space<hbm>>) dst(%dma_wait3A_697 : memref<64x128xf32, #tpu.memory_space<vmem>>)
    %dma_wait3A_701 = arith.constant 3 : i32
    %dma_wait3A_702 = arith.constant 3 : i32
    %dma_wait3A_703 = arith.constant 0 : i32
    %dma_wait3A_704 = arith.constant 0 : i32
    %dma_wait3A_705 = tpu.memref_slice %arg6[%dma_wait3A_701, %dma_wait3A_703, %dma_wait3A_704] : memref<5x128x128xf32, #tpu.memory_space<vmem>> -> memref<1x64x128xf32, #tpu.memory_space<vmem>>
    %dma_wait3A_706 = tpu.memref_squeeze %dma_wait3A_705 : memref<1x64x128xf32, #tpu.memory_space<vmem>> -> memref<64x128xf32, #tpu.memory_space<vmem>>
    %dma_wait3A_707 = arith.constant 0 : i32
    %dma_wait3A_708 = arith.constant 0 : i32
    %dma_wait3A_709 = tpu.memref_slice %arg3[%dma_wait3A_707, %dma_wait3A_708] : memref<1000000x128xf32, #tpu.memory_space<hbm>> -> memref<64x128xf32, #tpu.memory_space<hbm>>
    %dma_wait3A_710 = tpu.memref_slice %arg8[%dma_wait3A_702] : memref<5x!tpu.dma_semaphore, #tpu.memory_space<semaphore_mem>> -> memref<1x!tpu.dma_semaphore, #tpu.memory_space<semaphore_mem>>
    %dma_wait3A_711 = tpu.memref_squeeze %dma_wait3A_710 : memref<1x!tpu.dma_semaphore, #tpu.memory_space<semaphore_mem>> -> memref<!tpu.dma_semaphore, #tpu.memory_space<semaphore_mem>>
    %dma_wait3A_712 = arith.constant 0 : i32
    %dma_wait3A_713 = arith.constant 0 : i32
    %dma_wait3A_714 = tpu.memref_slice %arg6[%dma_wait3A_701, %dma_wait3A_712, %dma_wait3A_713] : memref<5x128x128xf32, #tpu.memory_space<vmem>> -> memref<1x64x128xf32, #tpu.memory_space<vmem>>
    %dma_wait3A_715 = tpu.memref_squeeze %dma_wait3A_714 : memref<1x64x128xf32, #tpu.memory_space<vmem>> -> memref<64x128xf32, #tpu.memory_space<vmem>>
    %dma_wait3A_716 = arith.constant 0 : i32
    %dma_wait3A_717 = arith.constant 0 : i32
    %dma_wait3A_718 = tpu.memref_slice %arg3[%dma_wait3A_716, %dma_wait3A_717] : memref<1000000x128xf32, #tpu.memory_space<hbm>> -> memref<64x128xf32, #tpu.memory_space<hbm>>
    tpu.wait_dma2 semaphore(%dma_wait3A_711 : memref<!tpu.dma_semaphore, #tpu.memory_space<semaphore_mem>>) src(%dma_wait3A_718 : memref<64x128xf32, #tpu.memory_space<hbm>>) dst(%dma_wait3A_715 : memref<64x128xf32, #tpu.memory_space<vmem>>)
    %dma_wait3A_719 = arith.constant 4 : i32
    %dma_wait3A_720 = arith.constant 4 : i32
    %dma_wait3A_721 = arith.constant 0 : i32
    %dma_wait3A_722 = arith.constant 0 : i32
    %dma_wait3A_723 = tpu.memref_slice %arg6[%dma_wait3A_719, %dma_wait3A_721, %dma_wait3A_722] : memref<5x128x128xf32, #tpu.memory_space<vmem>> -> memref<1x64x128xf32, #tpu.memory_space<vmem>>
    %dma_wait3A_724 = tpu.memref_squeeze %dma_wait3A_723 : memref<1x64x128xf32, #tpu.memory_space<vmem>> -> memref<64x128xf32, #tpu.memory_space<vmem>>
    %dma_wait3A_725 = arith.constant 0 : i32
    %dma_wait3A_726 = arith.constant 0 : i32
    %dma_wait3A_727 = tpu.memref_slice %arg3[%dma_wait3A_725, %dma_wait3A_726] : memref<1000000x128xf32, #tpu.memory_space<hbm>> -> memref<64x128xf32, #tpu.memory_space<hbm>>
    %dma_wait3A_728 = tpu.memref_slice %arg8[%dma_wait3A_720] : memref<5x!tpu.dma_semaphore, #tpu.memory_space<semaphore_mem>> -> memref<1x!tpu.dma_semaphore, #tpu.memory_space<semaphore_mem>>
    %dma_wait3A_729 = tpu.memref_squeeze %dma_wait3A_728 : memref<1x!tpu.dma_semaphore, #tpu.memory_space<semaphore_mem>> -> memref<!tpu.dma_semaphore, #tpu.memory_space<semaphore_mem>>
    %dma_wait3A_730 = arith.constant 0 : i32
    %dma_wait3A_731 = arith.constant 0 : i32
    %dma_wait3A_732 = tpu.memref_slice %arg6[%dma_wait3A_719, %dma_wait3A_730, %dma_wait3A_731] : memref<5x128x128xf32, #tpu.memory_space<vmem>> -> memref<1x64x128xf32, #tpu.memory_space<vmem>>
    %dma_wait3A_733 = tpu.memref_squeeze %dma_wait3A_732 : memref<1x64x128xf32, #tpu.memory_space<vmem>> -> memref<64x128xf32, #tpu.memory_space<vmem>>
    %dma_wait3A_734 = arith.constant 0 : i32
    %dma_wait3A_735 = arith.constant 0 : i32
    %dma_wait3A_736 = tpu.memref_slice %arg3[%dma_wait3A_734, %dma_wait3A_735] : memref<1000000x128xf32, #tpu.memory_space<hbm>> -> memref<64x128xf32, #tpu.memory_space<hbm>>
    tpu.wait_dma2 semaphore(%dma_wait3A_729 : memref<!tpu.dma_semaphore, #tpu.memory_space<semaphore_mem>>) src(%dma_wait3A_736 : memref<64x128xf32, #tpu.memory_space<hbm>>) dst(%dma_wait3A_733 : memref<64x128xf32, #tpu.memory_space<vmem>>)
    return
  }
}

</mosaic_0001>

<sc_bundles>
// kernel: kernel.3.cloned.1.call-start
scs
__scs_entry_jumppad:
0x0: {  	(pc) =	sbr.rel $0x88, $3  }
0x1: {  	(tag) =	ssettag $0x0;
	lr =	simm.s32 $0x1  }
0x2: {  	[smem:$0x3F9F] =	sst lr;
	_ =	strace $0xD0000000  }
0x3: {  	_ = 	snop  }
0x4: {  	_ = 	snop  }
0x5: {  	_ = 	snop  }
0x6: {  	_ = 	snop  }
0x7: {  	_ = 	snop  }
__scs_overlays_trampoline_lowered:
0x8: {  	[smem:$0x3FAE] =	sst s0  }
0x9: {  	[smem:$0x3FAF] =	sst s1  }
0xa: {  	[smem:$0x3FB0] =	sst s2  }
0xb: {  	[smem:$0x3FB1] =	sst s3  }
0xc: {  	[smem:$0x3FB2] =	sst s4  }
0xd: {  	[smem:$0x3FB3] =	sst s5  }
0xe: {  	[smem:$0x3FB4] =	sst s6  }
0xf: {  	[smem:$0x3FB5] =	sst s7  }
0x10: {  	[smem:$0x3FB6] =	sst s8  }
0x11: {  	[smem:$0x3FB7] =	sst s9;
	s0 =	simm.s32 @!p0 $0x0  }
0x12: {  	s1 =	sld [smem:$0x3F9D];
	s0 =	simm.s32 @p0 $0x1  }
0x13: {  	[smem:$0x3FB8] =	sst s0;
	s0 =	simm.s32 @!p1 $0x0  }
0x14: {  	s2 =	sld [smem:$0x3F9C];
	s0 =	simm.s32 @p1 $0x1  }
0x15: {  	[smem:$0x3FB9] =	sst s0;
	s0 =	simm.s32 @!p2 $0x0  }
0x16: {  	s3 =	sld [smem:$0x3FDB];
	s0 =	simm.s32 @p2 $0x1  }
0x17: {  	s4 =	simm.s32 $0x1BF5;
	[smem:$0x3FBB] =	sst s0  }
0x18: {  	s0 =	sld [smem:$0x3F9E];
	_ =	swait.ge [sflag:s4], $0x0  }
0x19: {  	s7 =	sld [smem:$0x3F9F]  }
0x1a: {  	s8 =	sadd.s32 $0xFFFFE003, lr  }
0x1b: {  	s9 =	sadd.s32 $0xFFFFFEF7, lr;
	s5 =	simm.s32 $0xFFFFFFFF;
	p2 =	slt.u32 s8, $0xFFFFF086  }
0x1c: {  	p1 =	slt.u32 s9, $0xF7A;
	s5 =	simm.s32 @!p2 $0x0  }
0x1d: {  	s5 =	simm.s32 @p1 $0x1;
	p0 =	seq.s32 s7, s2  }
0x1e: {  	s7 =	smul.u32 @!p0 $0xF7A, s2;
	p2 =	seq.s32 @!p0 s5, $0x0  }
0x1f: {  	s9 =	smul.u32 $0xF7A, s1;
	s8 =	simm.s32 @!p0 $0x1BF5;
	p2 =	por !p2, p0  }
0x20: {  	[sflag:s8] =	ssyncset.s32 @!p0 $0xFFFFF086;
	s6 =	sadd.s32 @!p0 s3, s7;
	s7 =	simm.s32 @!p0 $0x108  }
0x21: {  	s3 =	sadd.s32 s3, s9;
	s6 =	sadd.s32 @!p0 $0x88, s6;
	s7 =	simm.s32 @p2 $0x1082  }
0x22: {  	[simem:s7], [sflag:s8] =	dma.local @!p0 [hbm:s6], $0xF7A  }
0x23: {  	s9 =	sor.u32 $0xD0000000, s2;
	s6 =	simm.s32 $0x108;
	_ =	swait.ge @!p0 [sflag:s8], $0x0  }
0x24: {  	s3 =	sadd.s32 $0x88, s3;
	s6 =	simm.s32 @!p1 $0x1082;
	[sflag:s4] =	ssyncset.s32 $0xFFFFF086  }
0x25: {  	[simem:s6], [sflag:s4] =	dma.local [hbm:s3], $0xF7A  }
0x26: {  	[smem:$0x3F9F] =	sst s1;
	(tag) =	ssettag s2;
	_ =	strace s9  }
0x27: {  	s1 =	sld [smem:$0x3FAF]  }
0x28: {  	s2 =	sld [smem:$0x3FB0]  }
0x29: {  	s4 =	sld [smem:$0x3FB2]  }
0x2a: {  	p0 =	seq.s32 s5, $0x0;
	s5 =	sld [smem:$0x3FB3]  }
0x2b: {  	s6 =	sld [smem:$0x3FB4]  }
0x2c: {  	s7 =	sld [smem:$0x3FB5]  }
0x2d: {  	s3 =	simm.s32 $0x108;
	s8 =	sld [smem:$0x3FB6]  }
0x2e: {  	s3 =	simm.s32 @!p0 $0x1082;
	s9 =	sld [smem:$0x3FB7]  }
0x2f: {  	lr =	sadd.s32 s0, s3;
	s0 =	sld [smem:$0x3FAE]  }
0x30: {  	s3 =	sld [smem:$0x3FB1]  }
0x31: {  	[smem:$0x3FBA] =	sst s10  }
0x32: {  	s10 =	sld [smem:$0x3FB8];
	_ =	sdelay $0x3  }
0x33: {  	p0 =	seq.s32 s10, $0x1;
	s10 =	sld [smem:$0x3FBA];
	_ =	sdelay $0x3  }
0x34: {  	[smem:$0x3FBA] =	sst s10  }
0x35: {  	s10 =	sld [smem:$0x3FB9];
	_ =	sdelay $0x3  }
0x36: {  	p1 =	seq.s32 s10, $0x1;
	s10 =	sld [smem:$0x3FBA];
	_ =	sdelay $0x3  }
0x37: {  	[smem:$0x3FBA] =	sst s10  }
0x38: {  	s10 =	sld [smem:$0x3FBB]  }
0x39: {  	_ = 	snop;
	(pc) =	sbr.ind lr, $3  }
0x3a: {  	_ = 	snop  }
0x3b: {  	_ = 	snop  }
0x3c: {  	p2 =	seq.s32 s10, $0x1;
	s10 =	sld [smem:$0x3FBA]  }
0x3d: {  	_ =	shalt  }
0x3e: {  	_ =	shalt  }
0x3f: {  	_ =	shalt  }
0x40: {  	_ =	shalt  }
0x41: {  	_ =	shalt  }
0x42: {  	_ =	shalt  }
0x43: {  	_ =	shalt  }
0x44: {  	_ =	shalt  }
0x45: {  	_ =	shalt  }
0x46: {  	_ =	shalt  }
0x47: {  	_ =	shalt  }
0x48: {  	_ =	shalt  }
0x49: {  	_ =	shalt  }
0x4a: {  	_ =	shalt  }
0x4b: {  	_ =	shalt  }
0x4c: {  	_ =	shalt  }
0x4d: {  	_ =	shalt  }
0x4e: {  	_ =	shalt  }
0x4f: {  	_ =	shalt  }
0x50: {  	_ =	shalt  }
0x51: {  	_ =	shalt  }
0x52: {  	_ =	shalt  }
0x53: {  	_ =	shalt  }
0x54: {  	_ =	shalt  }
0x55: {  	_ =	shalt  }
0x56: {  	_ =	shalt  }
0x57: {  	_ =	shalt  }
0x58: {  	_ =	shalt  }
0x59: {  	_ =	shalt  }
0x5a: {  	_ =	shalt  }
0x5b: {  	_ =	shalt  }
0x5c: {  	_ =	shalt  }
0x5d: {  	_ =	shalt  }
0x5e: {  	_ =	shalt  }
0x5f: {  	_ =	shalt  }
0x60: {  	_ =	shalt  }
0x61: {  	_ =	shalt  }
0x62: {  	_ =	shalt  }
0x63: {  	_ =	shalt  }
0x64: {  	_ =	shalt  }
0x65: {  	_ =	shalt  }
0x66: {  	_ =	shalt  }
0x67: {  	_ =	shalt  }
0x68: {  	_ =	shalt  }
0x69: {  	_ =	shalt  }
0x6a: {  	_ =	shalt  }
0x6b: {  	_ =	shalt  }
0x6c: {  	_ =	shalt  }
0x6d: {  	_ =	shalt  }
0x6e: {  	_ =	shalt  }
0x6f: {  	_ =	shalt  }
0x70: {  	_ =	shalt  }
0x71: {  	_ =	shalt  }
0x72: {  	_ =	shalt  }
0x73: {  	_ =	shalt  }
0x74: {  	_ =	shalt  }
0x75: {  	_ =	shalt  }
0x76: {  	_ =	shalt  }
0x77: {  	_ =	shalt  }
0x78: {  	_ =	shalt  }
0x79: {  	_ =	shalt  }
0x7a: {  	_ =	shalt  }
0x7b: {  	_ =	shalt  }
0x7c: {  	_ =	shalt  }
0x7d: {  	_ =	shalt  }
0x7e: {  	_ =	shalt  }
0x7f: {  	_ =	shalt  }
0x80: {  	_ =	shalt  }
0x81: {  	_ =	shalt  }
0x82: {  	_ =	shalt  }
0x83: {  	_ =	shalt  }
0x84: {  	_ =	shalt  }
0x85: {  	_ =	shalt  }
0x86: {  	_ =	shalt  }
0x87: {  	_ =	shalt  }
.Lfunc_end0:
.L_simem_size_0:
called_computation.1_lowered:
.L_overlay_start_0:
0x88: {  	s2 =	sld [smem:$0x3FD9]  }
0x89: {  	s3 =	sld [smem:$0x3FFE];
	_ =	sdelay $0x1  }
0x8a: {  	s1 =	srdreg.scid  }
0x8b: {  	s0 =	sand.u32 $0x1, s1  }
0x8c: {  	s17 =	sshll.u32 s0, $0xA;
	s2 =	sadd.s32 s3, s2  }
0x8d: {  	s2 =	sadd.s32 s2, s17  }
0x8e: {  	[smem:$0x3FC6] =	sst s2  }
0x8f: {  	_ = 	snop  }
0x90: {  	s2 =	sld [smem:$0x3FD0];
	(tm) =	ssettm $0x1  }
0x91: {  	s18 =	sld [smem:$0x3FFB];
	_ =	sdelay $0x3  }
0x92: {  	_ =	strace s18  }
0x93: {  	s3 =	sld [smem:$0x3FFC];
	_ =	sdelay $0x3  }
0x94: {  	_ =	strace s3  }
0x95: {  	s3 =	sld [smem:$0x3FFD];
	_ =	sdelay $0x3  }
0x96: {  	_ =	strace s3  }
0x97: {  	_ =	strace $0x8FFFFFFF  }
0x98: {  	s19 =	sld [smem:$0x3FDB];
	_ =	sdelay $0x1  }
0x99: {  	s4 =	simm.s32 $_scs_section_size  }
0x9a: {  	s5 =	simm.s32 $_size__tile_overlayer_lowered;
	s6 =	simm.s32 $_tile_overlayer_lowered  }
0x9b: {  	s22 =	simm.s32 $0x1BFF;
	s21 =	sshll.u32 s6, $0x1;
	s3 =	sadd.s32 s4, s19  }
0x9c: {  	s7 =	simm.s32 $0x0;
	s20 =	sshll.u32 s5, $0x1;
	s5 =	sadd.s32 s21, s3  }
0x9d: {  	[timem:s7], [sflag:s22] =	dma.local [hbm:s5], s20  }
0x9e: {  	_ =	swait.ge [sflag:s22], s20  }
0x9f: {  	s4 =	ssub.s32 $0x0, s20;
	[sflag:s22] =	ssyncset.done $0x0  }
0xa0: {  	[sflag:s22] =	ssyncadd.s32 s4;
	_ =	sdelay $0x1  }
0xa1: {  	s23 =	simm.s32 $0x1B8B  }
0xa2: {  	_ =	swait.ge [sflag:s23], $0x1  }
0xa3: {  	[sflag:s23] =	ssyncset.done $0x0  }
0xa4: {  	s25 =	simm.s32 $0x1B8E;
	s24 =	sld [smem:$0x3FFE];
	[sflag:s23] =	ssyncadd.s32 $0xFFFFFFFF  }
0xa5: {  	s26 =	simm.s32 $execute0_lowered;
	[smem:$0x3FD2] =	sst s25  }
0xa6: {  	s5 =	sshll.u32 s26, $0x1;
	_ =	strace $0x80000046;
	[dreg:$0x1] =	wrdreg $0xFFFFFFFF  }
0xa7: {  	s28 =	simm.s32 $_size_execute0_lowered;
	s3 =	sadd.s32 s3, s5;
	[dreg:$0x0] =	wrdreg $0x0  }
0xa8: {  	s5 =	sshll.u32 s28, $0x1;
	[dreg:$0x2] =	wrdreg s3  }
0xa9: {  	[dreg:$0x3] =	wrdreg s5  }
0xaa: {  	[dreg:$0x4] =	wrdreg $0xC0  }
0xab: {  	_ =	task [dreg:s7], $0x5FFFF  }
0xac: {  	[dreg:$0x1] =	wrdreg $0xFFFFFFFF  }
0xad: {  	[dreg:$0x0] =	wrdreg $0x60  }
0xae: {  	[dreg:$0x2] =	wrdreg s24  }
0xaf: {  	[dreg:$0x3] =	wrdreg s2  }
0xb0: {  	[dreg:$0x4] =	wrdreg $0x9  }
0xb1: {  	_ =	task.clear_ibuf [dreg:s7], $0x5FFFF;
	_ =	strace $0x90000046  }
0xb2: {  	s29 =	simm.s32 $0x9;
	_ =	strace $0x80000048  }
0xb3: {  	_ =	swait.ge [sflag:s29], $0x1  }
0xb4: {  	[sflag:s29] =	ssyncadd.s32 $0xFFFFFFFF  }
0xb5: {  	_ =	strace $0x90000048  }
0xb6: {  	_ =	sfence  }
0xb7: {  	s30 =	sld [smem:$0x0];
	_ =	sdelay $0x2  }
0xb8: {  	s31 =	sshll.u32 s1, $0xD;
	s1 =	sshrl.u32 s1, $0x2  }
0xb9: {  	s3 =	sand.u32 $0x4000, s31;
	s1 =	sadd.s32 s1, s30  }
0xba: {  	s0 =	sor.u32 s3, s0;
	s1 =	sshll.u32 s1, $0x11  }
0xbb: {  	s0 =	sor.u32 s1, s0  }
0xbc: {  	s0 =	sadd.s32 $0x8F2B, s0  }
0xbd: {  	[sflag:s0] =	ssyncadd.remote.s32 $0x1  }
0xbe: {  	_ =	sfence.sel $0xFFFF  }
0xbf: {  	[dreg:$0x0] =	wrdreg $0xFFFFFFFF;
	(pc) =	sbr.abs _section_cstart, $3  }
0xc0: {  	[dreg:$0x1] =	wrdreg $0xFFFFFFFF  }
0xc1: {  	_ =	task.clear_ibuf [dreg:s7], $0x2FFFF;
	_ =	strace $0x9FFFFFFF  }
0xc2: {  	(tm) =	ssettm $0x7FFFFFFF  }
0xc3: {  	_ =	shalt  }
tec
execute0_lowered:
.L_overlay_start_1:
0x0: {  	(tag) =	ssettag $0x1  }
0x1: {  	s0 =	rddreg [dreg:$0x0];
	s1 =	srdreg.scid  }
0x2: {  	s3 =	stileid.u32;
	s2 =	rddreg [dreg:$0x1]  }
0x3: {  	s21 =	simm.s32 $0x80;
	s28 =	simm.s32 $0x4;
	s23 =	simm.s32 $0x7  }
0x4: {  	s19 =	simm.s32 $0x8;
	s1 =	sand.u32 $0x1, s1;
	s4 =	sshll.u32 s3, $0x1  }
0x5: {  	s20 =	simm.s32 $0x9;
	s22 =	simm.s32 $0xA;
	s6 =	sor.u32 s1, s4  }
0x6: {  	s13 =	simm.s32 $0x0;
	s3 =	simm.s32 $0x0;
	s4 =	smul.u32 $0xC80, s6  }
0x7: {  	[smem:$0x7FF] =	sst s3;
	s1 =	ssub.s32 $0x2, s1;
	s5 =	smul.u32 $0x32000, s6  }
0x8: {  	_ =	strace $0x80000047;
	s26 =	sshrl.u32 s1, $0x1;
	s29 =	smul.u32 $0x190000, s6  }
0x9: {  	s6 =	smul.u32 $0xC8, s6;
	s7 =	sadd.s32 s4, s0;
	s4 =	sadd.s32 $0xF5BE00, s0  }
0xa: {  	s0 =	ssub.s32 s1, s26;
	s5 =	sadd.s32 s2, s5;
	s1 =	sshrl.u32 s29, $0x3  }
0xb: {  	s30 =	sor.u32 $0x1, s6;
	s31 =	sor.u32 $0x2, s6;
	s7 =	sadd.s32 $0xF42E00, s7  }
0xc: {  	s8 =	sadd.s32 $0x400, s5;
	s9 =	sadd.s32 $0x800, s5;
	[dreg:$0x4] =	wrdreg s30  }
0xd: {  	s10 =	sadd.s32 $0xC00, s5;
	s11 =	sadd.s32 $0x1000, s5;
	[dreg:$0x5] =	wrdreg s31  }
0xe: {  	s1 =	sadd.s32 s2, s1;
	s0 =	smax.u32 s0, $0x1;
	[dreg:$0x3] =	wrdreg s7  }
0xf: {  	s14 =	sadd.s32 $0x30C00, s1;
	s15 =	sadd.s32 $0x31000, s1;
	s16 =	sadd.s32 $0x31400, s1  }
0x10: {  	s17 =	sadd.s32 $0x31800, s1;
	s18 =	sadd.s32 $0x31C00, s1;
	[dreg:$0x6] =	wrdreg s0  }
0x11: {  	s1 =	simm.s32 $0x3;
	s0 =	simm.s32 $0x6;
	s7 =	simm.s32 $0x5  }
.LBB2_1:
0x12: {  	[dreg:$0x7] =	wrdreg s13  }
0x13: {  	s12 =	rddreg [dreg:$0x3];
	s29 =	simm.s32 $0xB  }
0x14: {  	[tilespmem:s3], [sflag:$0xB] =	stream.linear.gather [hbm4b:s12+s3], $0x6400, $0x38;
	[tilespmem:$0x1A400] =	vst v63  }
0x15: {  	_ =	swait.ge [sflag:s29], $0x6400  }
0x16: {  	[sflag:s29] =	ssyncset.done $0x0  }
0x17: {  	s30 =	simm.s32 $0x6400;
	[sflag:s29] =	ssyncadd.s32 $0xFFFF9C00  }
0x18: {  	[tilespmem:s30], [sflag:$0x1] =	stream.indirect.gather [hbm4b:s4+s21], $0x80, s3, s21, $0xb8;
	[tilespmem:$0x1A400] =	vst v63  }
0x19: {  	s31 =	simm.s32 $0xA400  }
0x1a: {  	[tilespmem:s31], [sflag:$0x2] =	stream.indirect.gather [hbm4b:s4+s21], $0x80, s21, s21, $0xb8;
	[tilespmem:$0x1A400] =	vst v63  }
0x1b: {  	s13 =	simm.s32 $0x100;
	s24 =	simm.s32 $0xE400  }
0x1c: {  	[tilespmem:s24], [sflag:$0x3] =	stream.indirect.gather [hbm4b:s4+s21], $0x80, s13, s21, $0xb8;
	[tilespmem:$0x1A400] =	vst v63  }
0x1d: {  	s25 =	simm.s32 $0x180;
	s26 =	simm.s32 $0x12400  }
0x1e: {  	[tilespmem:s26], [sflag:$0x4] =	stream.indirect.gather [hbm4b:s4+s21], $0x80, s25, s21, $0xb8;
	[tilespmem:$0x1A400] =	vst v63  }
0x1f: {  	s29 =	simm.s32 $0x200;
	s30 =	simm.s32 $0x16400;
	s31 =	simm.s32 $0x1  }
0x20: {  	[tilespmem:s30], [sflag:$0x5] =	stream.indirect.gather [hbm4b:s4+s21], $0x80, s29, s21, $0xb8;
	[tilespmem:$0x1A400] =	vst v63  }
0x21: {  	_ =	swait.ge [sflag:s31], $0x4000  }
0x22: {  	s12 =	simm.s32 $0x6480;
	s24 =	simm.s32 $0x8;
	[sflag:s31] =	ssyncset.done $0x0  }
0x23: {  	s13 =	simm.s32 $0x6400;
	s25 =	sadd.s32 $0x0, s5;
	[sflag:s31] =	ssyncadd.s32 $0xFFFFC000  }
.LBB2_2:
0x24: {  	[hbm4b:s25+s3] =	stream.linear.scatter [tilespmem:s13], [sflag:$0x6], $0x40, $0x38;
	[tilespmem:$0x1A400] =	vst v63  }
0x25: {  	s25 =	smov.u32 s24;
	s13 =	smov.u32 s12;
	p0 =	sne.s32 s24, $0x3F8  }
.Ltmp0:
0x26: {  	s24 =	sadd.s32 $0x8, s24;
	(pc) =	sbr.rel @p0 .LBB2_2-.Ltmp0, $2  }
0x27: {  	_ =	sdelay $0x2  }
0x28: {  	s12 =	sadd.s32 $0x80, s12;
	s25 =	sadd.s32 s25, s5  }
0x29: {  	[hbm4b:s25+s3] =	stream.linear.scatter [tilespmem:s13], [sflag:$0x6], $0x40, $0x38;
	[tilespmem:$0x1A400] =	vst v63  }
0x2a: {  	s12 =	simm.s32 $0x2  }
0x2b: {  	_ =	swait.ge [sflag:s12], $0x4000  }
0x2c: {  	s24 =	simm.s32 $0xA400;
	s25 =	sadd.s32 $0x0, s8;
	[sflag:s12] =	ssyncset.done $0x0  }
0x2d: {  	s13 =	simm.s32 $0xA480;
	[sflag:s12] =	ssyncadd.s32 $0xFFFFC000;
	s12 =	simm.s32 $0x8  }
.LBB2_4:
0x2e: {  	[hbm4b:s25+s3] =	stream.linear.scatter [tilespmem:s24], [sflag:$0x7], $0x40, $0x38;
	[tilespmem:$0x1A400] =	vst v63  }
0x2f: {  	s25 =	smov.u32 s12;
	s24 =	smov.u32 s13;
	p0 =	sne.s32 s12, $0x3F8  }
.Ltmp1:
0x30: {  	s12 =	sadd.s32 $0x8, s12;
	(pc) =	sbr.rel @p0 .LBB2_4-.Ltmp1, $2  }
0x31: {  	_ =	sdelay $0x2  }
0x32: {  	s13 =	sadd.s32 $0x80, s13;
	s25 =	sadd.s32 s25, s8  }
0x33: {  	[hbm4b:s25+s3] =	stream.linear.scatter [tilespmem:s24], [sflag:$0x7], $0x40, $0x38;
	[tilespmem:$0x1A400] =	vst v63  }
0x34: {  	_ =	swait.ge [sflag:s1], $0x4000  }
0x35: {  	s24 =	simm.s32 $0xE400;
	s12 =	simm.s32 $0x8;
	[sflag:s1] =	ssyncset.done $0x0  }
0x36: {  	s25 =	sadd.s32 $0x0, s9;
	s13 =	simm.s32 $0xE480;
	[sflag:s1] =	ssyncadd.s32 $0xFFFFC000  }
.LBB2_6:
0x37: {  	[hbm4b:s25+s3] =	stream.linear.scatter [tilespmem:s24], [sflag:$0x8], $0x40, $0x38;
	[tilespmem:$0x1A400] =	vst v63  }
0x38: {  	s25 =	smov.u32 s12;
	s24 =	smov.u32 s13;
	p0 =	sne.s32 s12, $0x3F8  }
.Ltmp2:
0x39: {  	s12 =	sadd.s32 $0x8, s12;
	(pc) =	sbr.rel @p0 .LBB2_6-.Ltmp2, $2  }
0x3a: {  	_ =	sdelay $0x2  }
0x3b: {  	s13 =	sadd.s32 $0x80, s13;
	s25 =	sadd.s32 s25, s9  }
0x3c: {  	[hbm4b:s25+s3] =	stream.linear.scatter [tilespmem:s24], [sflag:$0x8], $0x40, $0x38;
	[tilespmem:$0x1A400] =	vst v63  }
0x3d: {  	_ =	swait.ge [sflag:s0], $0x2000  }
0x3e: {  	[sflag:s0] =	ssyncset.done $0x0  }
0x3f: {  	s12 =	simm.s32 $0x280;
	s13 =	simm.s32 $0x6400;
	[sflag:s0] =	ssyncadd.s32 $0xFFFFE000  }
0x40: {  	[tilespmem:s13], [sflag:$0x1] =	stream.indirect.gather [hbm4b:s4+s21], $0x80, s12, s21, $0xb8;
	[tilespmem:$0x1A400] =	vst v63  }
0x41: {  	_ =	swait.ge [sflag:s28], $0x4000  }
0x42: {  	s24 =	simm.s32 $0x12400;
	s25 =	sadd.s32 $0x0, s10;
	[sflag:s28] =	ssyncset.done $0x0  }
0x43: {  	s12 =	simm.s32 $0x8;
	s13 =	simm.s32 $0x12480;
	[sflag:s28] =	ssyncadd.s32 $0xFFFFC000  }
.LBB2_8:
0x44: {  	[hbm4b:s25+s3] =	stream.linear.scatter [tilespmem:s24], [sflag:$0x9], $0x40, $0x38;
	[tilespmem:$0x1A400] =	vst v63  }
0x45: {  	s25 =	smov.u32 s12;
	s24 =	smov.u32 s13;
	p0 =	sne.s32 s12, $0x3F8  }
.Ltmp3:
0x46: {  	s12 =	sadd.s32 $0x8, s12;
	(pc) =	sbr.rel @p0 .LBB2_8-.Ltmp3, $2  }
0x47: {  	_ =	sdelay $0x2  }
0x48: {  	s13 =	sadd.s32 $0x80, s13;
	s25 =	sadd.s32 s25, s10  }
0x49: {  	[hbm4b:s25+s3] =	stream.linear.scatter [tilespmem:s24], [sflag:$0x9], $0x40, $0x38;
	[tilespmem:$0x1A400] =	vst v63  }
0x4a: {  	_ =	swait.ge [sflag:s23], $0x2000  }
0x4b: {  	[sflag:s23] =	ssyncset.done $0x0  }
0x4c: {  	s12 =	simm.s32 $0xA400;
	s13 =	simm.s32 $0x300;
	[sflag:s23] =	ssyncadd.s32 $0xFFFFE000  }
0x4d: {  	[tilespmem:s12], [sflag:$0x2] =	stream.indirect.gather [hbm4b:s4+s21], $0x80, s13, s21, $0xb8;
	[tilespmem:$0x1A400] =	vst v63  }
0x4e: {  	_ =	swait.ge [sflag:s7], $0x4000  }
0x4f: {  	s24 =	simm.s32 $0x16400;
	s25 =	sadd.s32 $0x0, s11;
	[sflag:s7] =	ssyncset.done $0x0  }
0x50: {  	s12 =	simm.s32 $0x8;
	s13 =	simm.s32 $0x16480;
	[sflag:s7] =	ssyncadd.s32 $0xFFFFC000  }
.LBB2_10:
0x51: {  	[hbm4b:s25+s3] =	stream.linear.scatter [tilespmem:s24], [sflag:$0xA], $0x40, $0x38;
	[tilespmem:$0x1A400] =	vst v63  }
0x52: {  	s25 =	smov.u32 s12;
	s24 =	smov.u32 s13;
	p0 =	sne.s32 s12, $0x3F8  }
.Ltmp4:
0x53: {  	s12 =	sadd.s32 $0x8, s12;
	(pc) =	sbr.rel @p0 .LBB2_10-.Ltmp4, $2  }
0x54: {  	_ =	sdelay $0x2  }
0x55: {  	s13 =	sadd.s32 $0x80, s13;
	s25 =	sadd.s32 s25, s11  }
0x56: {  	[hbm4b:s25+s3] =	stream.linear.scatter [tilespmem:s24], [sflag:$0xA], $0x40, $0x38;
	[tilespmem:$0x1A400] =	vst v63  }
0x57: {  	_ =	swait.ge [sflag:s19], $0x2000  }
0x58: {  	s12 =	simm.s32 $0xE400;
	[sflag:s19] =	ssyncset.done $0x0  }
0x59: {  	s13 =	simm.s32 $0x380;
	s24 =	simm.s32 $0x1;
	[sflag:s19] =	ssyncadd.s32 $0xFFFFE000  }
0x5a: {  	[tilespmem:s12], [sflag:$0x3] =	stream.indirect.gather [hbm4b:s4+s21], $0x80, s13, s21, $0xb8;
	[tilespmem:$0x1A400] =	vst v63  }
.LBB2_12:
0x5b: {  	s25 =	smul.u32 $0x5, s24;
	_ =	sdelay $0x1  }
0x5c: {  	s13 =	simm.s32 $0x1;
	s12 =	sadd.s32 s6, s25  }
0x5d: {  	_ =	swait.ge [sflag:s13], $0x4000;
	s12 =	sshll.u32 s12, $0xA  }
0x5e: {  	[sflag:s13] =	ssyncset.done $0x0;
	s12 =	sand.u32 $0x1FFFFC00, s12  }
0x5f: {  	s29 =	simm.s32 $0x6400;
	[sflag:s13] =	ssyncadd.s32 $0xFFFFC000;
	s26 =	sadd.s32 s2, s12  }
0x60: {  	s13 =	simm.s32 $0x6480;
	s12 =	simm.s32 $0x8;
	s30 =	sadd.s32 $0x0, s26  }
.LBB2_13:
0x61: {  	[hbm4b:s30+s3] =	stream.linear.scatter [tilespmem:s29], [sflag:$0x6], $0x40, $0x38;
	[tilespmem:$0x1A400] =	vst v63  }
0x62: {  	s30 =	smov.u32 s12;
	s29 =	smov.u32 s13;
	p0 =	sne.s32 s12, $0x3F8  }
.Ltmp5:
0x63: {  	s12 =	sadd.s32 $0x8, s12;
	(pc) =	sbr.rel @p0 .LBB2_13-.Ltmp5, $2  }
0x64: {  	_ =	sdelay $0x2  }
0x65: {  	s13 =	sadd.s32 $0x80, s13;
	s30 =	sadd.s32 s30, s26  }
0x66: {  	[hbm4b:s30+s3] =	stream.linear.scatter [tilespmem:s29], [sflag:$0x6], $0x40, $0x38;
	[tilespmem:$0x1A400] =	vst v63  }
0x67: {  	s26 =	sadd.s32 $0x3, s25;
	_ =	swait.ge [sflag:s20], $0x2000  }
0x68: {  	s12 =	sshll.u32 s26, $0x7;
	[sflag:s20] =	ssyncset.done $0x0  }
0x69: {  	s13 =	simm.s32 $0x12400;
	s12 =	sand.u32 $0x3FFFFF80, s12;
	[sflag:s20] =	ssyncadd.s32 $0xFFFFE000  }
0x6a: {  	[tilespmem:s13], [sflag:$0x4] =	stream.indirect.gather [hbm4b:s4+s21], $0x80, s12, s21, $0xb8;
	[tilespmem:$0x1A400] =	vst v63  }
0x6b: {  	s13 =	rddreg [dreg:$0x4]  }
0x6c: {  	s12 =	sadd.s32 s25, s13;
	s13 =	simm.s32 $0x2  }
0x6d: {  	_ =	swait.ge [sflag:s13], $0x4000;
	s12 =	sshll.u32 s12, $0xA  }
0x6e: {  	[sflag:s13] =	ssyncset.done $0x0;
	s12 =	sand.u32 $0x1FFFFC00, s12  }
0x6f: {  	s30 =	simm.s32 $0xA480;
	[sflag:s13] =	ssyncadd.s32 $0xFFFFC000;
	s29 =	sadd.s32 s2, s12  }
0x70: {  	s12 =	simm.s32 $0xA400;
	s13 =	simm.s32 $0x8;
	s31 =	sadd.s32 $0x0, s29  }
.LBB2_15:
0x71: {  	[hbm4b:s31+s3] =	stream.linear.scatter [tilespmem:s12], [sflag:$0x7], $0x40, $0x38;
	[tilespmem:$0x1A400] =	vst v63  }
0x72: {  	s31 =	smov.u32 s13;
	s12 =	smov.u32 s30;
	p0 =	sne.s32 s13, $0x3F8  }
.Ltmp6:
0x73: {  	s13 =	sadd.s32 $0x8, s13;
	(pc) =	sbr.rel @p0 .LBB2_15-.Ltmp6, $2  }
0x74: {  	_ =	sdelay $0x2  }
0x75: {  	s30 =	sadd.s32 $0x80, s30;
	s31 =	sadd.s32 s31, s29  }
0x76: {  	[hbm4b:s31+s3] =	stream.linear.scatter [tilespmem:s12], [sflag:$0x7], $0x40, $0x38;
	[tilespmem:$0x1A400] =	vst v63  }
0x77: {  	s29 =	sadd.s32 $0x4, s25;
	_ =	swait.ge [sflag:s22], $0x2000  }
0x78: {  	s13 =	sshll.u32 s29, $0x7;
	[sflag:s22] =	ssyncset.done $0x0  }
0x79: {  	s12 =	sand.u32 $0x3FFFFF80, s13;
	s13 =	simm.s32 $0x16400;
	[sflag:s22] =	ssyncadd.s32 $0xFFFFE000  }
0x7a: {  	[tilespmem:s13], [sflag:$0x5] =	stream.indirect.gather [hbm4b:s4+s21], $0x80, s12, s21, $0xb8;
	[tilespmem:$0x1A400] =	vst v63  }
0x7b: {  	s13 =	rddreg [dreg:$0x5]  }
0x7c: {  	s12 =	sadd.s32 s25, s13  }
0x7d: {  	s12 =	sshll.u32 s12, $0xA  }
0x7e: {  	s30 =	simm.s32 $0xE480;
	_ =	swait.ge [sflag:s1], $0x4000;
	s12 =	sand.u32 $0x1FFFFC00, s12  }
0x7f: {  	s13 =	simm.s32 $0x8;
	[sflag:s1] =	ssyncset.done $0x0;
	s25 =	sadd.s32 s2, s12  }
0x80: {  	[sflag:s1] =	ssyncadd.s32 $0xFFFFC000;
	s12 =	simm.s32 $0xE400;
	s31 =	sadd.s32 $0x0, s25  }
.LBB2_17:
0x81: {  	[hbm4b:s31+s3] =	stream.linear.scatter [tilespmem:s12], [sflag:$0x8], $0x40, $0x38;
	[tilespmem:$0x1A400] =	vst v63  }
0x82: {  	s31 =	smov.u32 s13;
	s12 =	smov.u32 s30;
	p0 =	sne.s32 s13, $0x3F8  }
.Ltmp7:
0x83: {  	s13 =	sadd.s32 $0x8, s13;
	(pc) =	sbr.rel @p0 .LBB2_17-.Ltmp7, $2  }
0x84: {  	_ =	sdelay $0x2  }
0x85: {  	s30 =	sadd.s32 $0x80, s30;
	s31 =	sadd.s32 s31, s25  }
0x86: {  	[hbm4b:s31+s3] =	stream.linear.scatter [tilespmem:s12], [sflag:$0x8], $0x40, $0x38;
	[tilespmem:$0x1A400] =	vst v63  }
0x87: {  	s25 =	smul.u32 $0xA00, s24  }
0x88: {  	_ =	swait.ge [sflag:s0], $0x2000  }
0x89: {  	s13 =	simm.s32 $0x6400;
	[sflag:s0] =	ssyncset.done $0x0;
	s25 =	sshra.s32 s25, $0x2  }
0x8a: {  	s26 =	sadd.s32 s6, s26;
	[sflag:s0] =	ssyncadd.s32 $0xFFFFE000;
	s12 =	sadd.s32 $0x280, s25  }
0x8b: {  	[tilespmem:s13], [sflag:$0x1] =	stream.indirect.gather [hbm4b:s4+s21], $0x80, s12, s21, $0xb8;
	[tilespmem:$0x1A400] =	vst v63  }
0x8c: {  	s12 =	sshll.u32 s26, $0xA  }
0x8d: {  	s30 =	simm.s32 $0x12480;
	_ =	swait.ge [sflag:s28], $0x4000;
	s12 =	sand.u32 $0x1FFFFC00, s12  }
0x8e: {  	s13 =	simm.s32 $0x8;
	[sflag:s28] =	ssyncset.done $0x0;
	s26 =	sadd.s32 s2, s12  }
0x8f: {  	s12 =	simm.s32 $0x12400;
	[sflag:s28] =	ssyncadd.s32 $0xFFFFC000;
	s31 =	sadd.s32 $0x0, s26  }
.LBB2_19:
0x90: {  	[hbm4b:s31+s3] =	stream.linear.scatter [tilespmem:s12], [sflag:$0x9], $0x40, $0x38;
	[tilespmem:$0x1A400] =	vst v63  }
0x91: {  	s31 =	smov.u32 s13;
	s12 =	smov.u32 s30;
	p0 =	sne.s32 s13, $0x3F8  }
.Ltmp8:
0x92: {  	s13 =	sadd.s32 $0x8, s13;
	(pc) =	sbr.rel @p0 .LBB2_19-.Ltmp8, $2  }
0x93: {  	_ =	sdelay $0x2  }
0x94: {  	s30 =	sadd.s32 $0x80, s30;
	s31 =	sadd.s32 s31, s26  }
0x95: {  	[hbm4b:s31+s3] =	stream.linear.scatter [tilespmem:s12], [sflag:$0x9], $0x40, $0x38;
	[tilespmem:$0x1A400] =	vst v63  }
0x96: {  	_ =	swait.ge [sflag:s23], $0x2000  }
0x97: {  	s26 =	sadd.s32 $0x300, s25;
	s31 =	sadd.s32 s6, s29;
	[sflag:s23] =	ssyncset.done $0x0  }
0x98: {  	s13 =	simm.s32 $0xA400;
	s12 =	sshll.u32 s31, $0xA;
	[sflag:s23] =	ssyncadd.s32 $0xFFFFE000  }
0x99: {  	[tilespmem:s13], [sflag:$0x2] =	stream.indirect.gather [hbm4b:s4+s21], $0x80, s26, s21, $0xb8;
	[tilespmem:$0x1A400] =	vst v63  }
0x9a: {  	s29 =	simm.s32 $0x16480;
	s12 =	sand.u32 $0x1FFFFC00, s12;
	_ =	swait.ge [sflag:s7], $0x4000  }
0x9b: {  	s26 =	sadd.s32 s2, s12;
	s12 =	simm.s32 $0x16400;
	[sflag:s7] =	ssyncset.done $0x0  }
0x9c: {  	s13 =	simm.s32 $0x8;
	s30 =	sadd.s32 $0x0, s26;
	[sflag:s7] =	ssyncadd.s32 $0xFFFFC000  }
.LBB2_21:
0x9d: {  	[hbm4b:s30+s3] =	stream.linear.scatter [tilespmem:s12], [sflag:$0xA], $0x40, $0x38;
	[tilespmem:$0x1A400] =	vst v63  }
0x9e: {  	s30 =	smov.u32 s13;
	s12 =	smov.u32 s29;
	p0 =	sne.s32 s13, $0x3F8  }
.Ltmp9:
0x9f: {  	s13 =	sadd.s32 $0x8, s13;
	(pc) =	sbr.rel @p0 .LBB2_21-.Ltmp9, $2  }
0xa0: {  	_ =	sdelay $0x2  }
0xa1: {  	s29 =	sadd.s32 $0x80, s29;
	s30 =	sadd.s32 s30, s26  }
0xa2: {  	[hbm4b:s30+s3] =	stream.linear.scatter [tilespmem:s12], [sflag:$0xA], $0x40, $0x38;
	[tilespmem:$0x1A400] =	vst v63  }
0xa3: {  	s24 =	sadd.s32 $0x1, s24  }
0xa4: {  	p0 =	sne.s32 s24, $0x27  }
.Ltmp10:
0xa5: {  	_ = 	snop;
	(pc) =	sbr.rel @p0 .LBB2_12-.Ltmp10, $4  }
0xa6: {  	_ =	swait.ge [sflag:s19], $0x2000  }
0xa7: {  	[sflag:s19] =	ssyncset.done $0x0  }
0xa8: {  	s31 =	sadd.s32 $0x380, s25;
	s13 =	simm.s32 $0xE400;
	[sflag:s19] =	ssyncadd.s32 $0xFFFFE000  }
0xa9: {  	[tilespmem:s13], [sflag:$0x3] =	stream.indirect.gather [hbm4b:s4+s21], $0x80, s31, s21, $0xb8;
	[tilespmem:$0x1A400] =	vst v63  }
0xaa: {  	s12 =	simm.s32 $0x1  }
0xab: {  	_ =	swait.ge [sflag:s12], $0x4000  }
0xac: {  	s13 =	simm.s32 $0x8;
	s25 =	sadd.s32 $0x0, s14;
	[sflag:s12] =	ssyncset.done $0x0  }
0xad: {  	s24 =	simm.s32 $0x6480;
	[sflag:s12] =	ssyncadd.s32 $0xFFFFC000;
	s12 =	simm.s32 $0x6400  }
.LBB2_24:
0xae: {  	[hbm4b:s25+s3] =	stream.linear.scatter [tilespmem:s12], [sflag:$0x6], $0x40, $0x38;
	[tilespmem:$0x1A400] =	vst v63  }
0xaf: {  	s25 =	smov.u32 s13;
	s12 =	smov.u32 s24;
	p0 =	sne.s32 s13, $0x3F8  }
.Ltmp11:
0xb0: {  	s13 =	sadd.s32 $0x8, s13;
	(pc) =	sbr.rel @p0 .LBB2_24-.Ltmp11, $2  }
0xb1: {  	_ =	sdelay $0x2  }
0xb2: {  	s24 =	sadd.s32 $0x80, s24;
	s25 =	sadd.s32 s25, s14  }
0xb3: {  	[hbm4b:s25+s3] =	stream.linear.scatter [tilespmem:s12], [sflag:$0x6], $0x40, $0x38;
	[tilespmem:$0x1A400] =	vst v63  }
0xb4: {  	_ =	swait.ge [sflag:s20], $0x2000  }
0xb5: {  	s30 =	simm.s32 $0x12400;
	[sflag:s20] =	ssyncset.done $0x0  }
0xb6: {  	s13 =	simm.s32 $0x6300;
	s31 =	simm.s32 $0x2;
	[sflag:s20] =	ssyncadd.s32 $0xFFFFE000  }
0xb7: {  	[tilespmem:s30], [sflag:$0x4] =	stream.indirect.gather [hbm4b:s4+s21], $0x80, s13, s21, $0xb8;
	[tilespmem:$0x1A400] =	vst v63  }
0xb8: {  	_ =	swait.ge [sflag:s31], $0x4000  }
0xb9: {  	s12 =	simm.s32 $0xA400;
	s25 =	sadd.s32 $0x0, s15;
	[sflag:s31] =	ssyncset.done $0x0  }
0xba: {  	s24 =	simm.s32 $0xA480;
	s13 =	simm.s32 $0x8;
	[sflag:s31] =	ssyncadd.s32 $0xFFFFC000  }
.LBB2_26:
0xbb: {  	[hbm4b:s25+s3] =	stream.linear.scatter [tilespmem:s12], [sflag:$0x7], $0x40, $0x38;
	[tilespmem:$0x1A400] =	vst v63  }
0xbc: {  	s25 =	smov.u32 s13;
	s12 =	smov.u32 s24;
	p0 =	sne.s32 s13, $0x3F8  }
.Ltmp12:
0xbd: {  	s13 =	sadd.s32 $0x8, s13;
	(pc) =	sbr.rel @p0 .LBB2_26-.Ltmp12, $2  }
0xbe: {  	_ =	sdelay $0x2  }
0xbf: {  	s24 =	sadd.s32 $0x80, s24;
	s25 =	sadd.s32 s25, s15  }
0xc0: {  	[hbm4b:s25+s3] =	stream.linear.scatter [tilespmem:s12], [sflag:$0x7], $0x40, $0x38;
	[tilespmem:$0x1A400] =	vst v63  }
0xc1: {  	_ =	swait.ge [sflag:s22], $0x2000  }
0xc2: {  	[sflag:s22] =	ssyncset.done $0x0  }
0xc3: {  	s31 =	simm.s32 $0x16400;
	s13 =	simm.s32 $0x6380;
	[sflag:s22] =	ssyncadd.s32 $0xFFFFE000  }
0xc4: {  	[tilespmem:s31], [sflag:$0x5] =	stream.indirect.gather [hbm4b:s4+s21], $0x80, s13, s21, $0xb8;
	[tilespmem:$0x1A400] =	vst v63  }
0xc5: {  	_ =	swait.ge [sflag:s1], $0x4000  }
0xc6: {  	s12 =	simm.s32 $0xE400;
	s25 =	sadd.s32 $0x0, s16;
	[sflag:s1] =	ssyncset.done $0x0  }
0xc7: {  	s24 =	simm.s32 $0xE480;
	s13 =	simm.s32 $0x8;
	[sflag:s1] =	ssyncadd.s32 $0xFFFFC000  }
.LBB2_28:
0xc8: {  	[hbm4b:s25+s3] =	stream.linear.scatter [tilespmem:s12], [sflag:$0x8], $0x40, $0x38;
	[tilespmem:$0x1A400] =	vst v63  }
0xc9: {  	s25 =	smov.u32 s13;
	s12 =	smov.u32 s24;
	p0 =	sne.s32 s13, $0x3F8  }
.Ltmp13:
0xca: {  	s13 =	sadd.s32 $0x8, s13;
	(pc) =	sbr.rel @p0 .LBB2_28-.Ltmp13, $2  }
0xcb: {  	_ =	sdelay $0x2  }
0xcc: {  	s24 =	sadd.s32 $0x80, s24;
	s25 =	sadd.s32 s25, s16  }
0xcd: {  	[hbm4b:s25+s3] =	stream.linear.scatter [tilespmem:s12], [sflag:$0x8], $0x40, $0x38;
	[tilespmem:$0x1A400] =	vst v63  }
0xce: {  	_ =	swait.ge [sflag:s28], $0x4000  }
0xcf: {  	s12 =	simm.s32 $0x12400;
	s13 =	simm.s32 $0x8;
	[sflag:s28] =	ssyncset.done $0x0  }
0xd0: {  	s25 =	sadd.s32 $0x0, s17;
	s24 =	simm.s32 $0x12480;
	[sflag:s28] =	ssyncadd.s32 $0xFFFFC000  }
.LBB2_30:
0xd1: {  	[hbm4b:s25+s3] =	stream.linear.scatter [tilespmem:s12], [sflag:$0x9], $0x40, $0x38;
	[tilespmem:$0x1A400] =	vst v63  }
0xd2: {  	s25 =	smov.u32 s13;
	s12 =	smov.u32 s24;
	p0 =	sne.s32 s13, $0x3F8  }
.Ltmp14:
0xd3: {  	s13 =	sadd.s32 $0x8, s13;
	(pc) =	sbr.rel @p0 .LBB2_30-.Ltmp14, $2  }
0xd4: {  	_ =	sdelay $0x2  }
0xd5: {  	s24 =	sadd.s32 $0x80, s24;
	s25 =	sadd.s32 s25, s17  }
0xd6: {  	[hbm4b:s25+s3] =	stream.linear.scatter [tilespmem:s12], [sflag:$0x9], $0x40, $0x38;
	[tilespmem:$0x1A400] =	vst v63  }
0xd7: {  	_ =	swait.ge [sflag:s7], $0x4000  }
0xd8: {  	s12 =	simm.s32 $0x16400;
	s13 =	simm.s32 $0x8;
	[sflag:s7] =	ssyncset.done $0x0  }
0xd9: {  	s25 =	sadd.s32 $0x0, s18;
	s24 =	simm.s32 $0x16480;
	[sflag:s7] =	ssyncadd.s32 $0xFFFFC000  }
.LBB2_32:
0xda: {  	[hbm4b:s25+s3] =	stream.linear.scatter [tilespmem:s12], [sflag:$0xA], $0x40, $0x38;
	[tilespmem:$0x1A400] =	vst v63  }
0xdb: {  	s25 =	smov.u32 s13;
	s12 =	smov.u32 s24;
	p0 =	sne.s32 s13, $0x3F8  }
.Ltmp15:
0xdc: {  	s13 =	sadd.s32 $0x8, s13;
	(pc) =	sbr.rel @p0 .LBB2_32-.Ltmp15, $2  }
0xdd: {  	_ =	sdelay $0x2  }
0xde: {  	s24 =	sadd.s32 $0x80, s24;
	s25 =	sadd.s32 s25, s18  }
0xdf: {  	[hbm4b:s25+s3] =	stream.linear.scatter [tilespmem:s12], [sflag:$0xA], $0x40, $0x38;
	[tilespmem:$0x1A400] =	vst v63  }
0xe0: {  	_ =	swait.ge [sflag:s0], $0x2000  }
0xe1: {  	[sflag:s0] =	ssyncset.done $0x0  }
0xe2: {  	[sflag:s0] =	ssyncadd.s32 $0xFFFFE000  }
0xe3: {  	_ =	swait.ge [sflag:s23], $0x2000  }
0xe4: {  	[sflag:s23] =	ssyncset.done $0x0  }
0xe5: {  	[sflag:s23] =	ssyncadd.s32 $0xFFFFE000  }
0xe6: {  	_ =	swait.ge [sflag:s19], $0x2000  }
0xe7: {  	[sflag:s19] =	ssyncset.done $0x0  }
0xe8: {  	[sflag:s19] =	ssyncadd.s32 $0xFFFFE000  }
0xe9: {  	_ =	swait.ge [sflag:s20], $0x2000  }
0xea: {  	[sflag:s20] =	ssyncset.done $0x0  }
0xeb: {  	[sflag:s20] =	ssyncadd.s32 $0xFFFFE000  }
0xec: {  	_ =	swait.ge [sflag:s22], $0x2000  }
0xed: {  	s13 =	rddreg [dreg:$0x7]  }
0xee: {  	s31 =	rddreg [dreg:$0x6];
	s13 =	sadd.s32 $0x1, s13  }
0xef: {  	p0 =	sne.s32 s13, s31  }
.Ltmp16:
0xf0: {  	_ = 	snop;
	(pc) =	sbr.rel @p0 .LBB2_1-.Ltmp16, $3  }
0xf1: {  	_ =	sdelay $0x1  }
0xf2: {  	[sflag:s22] =	ssyncset.done $0x0  }
0xf3: {  	[sflag:s22] =	ssyncadd.s32 $0xFFFFE000  }
0xf4: {  	_ =	sfence.sel $0x180000  }
0xf5: {  	[bflag:$0x0] =	sbarrier.arrive $0xFFFF  }
0xf6: {  	_ =	strace $0x90000047  }
0xf7: {  	s0 =	stileid.u32;
	[bflag:$0x2] =	sbarrier.arrive $0xFFFF  }
0xf8: {  	p0 =	sne.s32 s0, $0x0;
	s0 =	rddreg [dreg:$0x2]  }
0xf9: {  	s0 =	sadd.s32 @!p0 $0x100000, s0  }
0xfa: {  	[sflag:s0] =	ssyncadd.tile.s32 @!p0 $0x1;
	_ =	shalt  }
.Lfunc_end2:
_tile_overlayer_lowered:
.L_overlay_start_2:
0xfb: {  	(tag) =	ssettag $0x2  }
0xfc: {  	s0 =	rddreg [dreg:$0x0];
	s2 =	stileid.u32  }
0xfd: {  	s1 =	rddreg [dreg:$0x1];
	p0 =	sne.s32 s2, $0x0  }
0xfe: {  	s3 =	rddreg [dreg:$0x2];
	[bflag:$0x3] =	sbarrier.arrive $0xFFFF;
	s2 =	simm.s32 @!p0 $0x1C0B  }
0xff: {  	[timem:s3], [sflag:s2] =	dma.local @!p0 [hbm:s0], s1  }
0x100: {  	s0 =	simm.s32 @!p0 $0xB  }
0x101: {  	_ =	swait.ge @!p0 [sflag:s0], s1  }
0x102: {  	s1 =	ssub.s32 @!p0 $0x0, s1;
	[sflag:s0] =	ssyncset.done @!p0 $0x0  }
0x103: {  	[sflag:s0] =	ssyncadd.s32 @!p0 s1  }
0x104: {  	[bflag:$0x3] =	sbarrier.arrive $0xFFFF  }
0x105: {  	_ =	shalt  }

// kernel: sparse-core-data-format-call.cloned.1.call-start
scs
called_computation_lowered:
.L_overlay_start_0:
0x0: {  	s2 =	sld [smem:$0x3FD9]  }
0x1: {  	s3 =	sld [smem:$0x3FFE];
	_ =	sdelay $0x1  }
0x2: {  	s1 =	srdreg.scid  }
0x3: {  	s0 =	sand.u32 $0x1, s1  }
0x4: {  	s18 =	sshll.u32 s0, $0xA;
	s2 =	sadd.s32 s3, s2  }
0x5: {  	s2 =	sadd.s32 s2, s18  }
0x6: {  	[smem:$0x3FC6] =	sst s2  }
0x7: {  	_ = 	snop  }
0x8: {  	s2 =	sld [smem:$0x3FD0];
	(tm) =	ssettm $0x1  }
0x9: {  	s19 =	sld [smem:$0x3FFB];
	_ =	sdelay $0x3  }
0xa: {  	_ =	strace s19  }
0xb: {  	s3 =	sld [smem:$0x3FFC];
	_ =	sdelay $0x3  }
0xc: {  	_ =	strace s3  }
0xd: {  	s3 =	sld [smem:$0x3FFD];
	_ =	sdelay $0x3  }
0xe: {  	_ =	strace s3  }
0xf: {  	_ =	strace $0x8FFFFFFF  }
0x10: {  	s20 =	sld [smem:$0x3FDB];
	_ =	sdelay $0x1  }
0x11: {  	s4 =	simm.s32 $_scs_section_size  }
0x12: {  	s5 =	simm.s32 $_size__tile_overlayer_lowered;
	s6 =	simm.s32 $_tile_overlayer_lowered  }
0x13: {  	s23 =	simm.s32 $0x1BFF;
	s22 =	sshll.u32 s6, $0x1;
	s3 =	sadd.s32 s4, s20  }
0x14: {  	s7 =	simm.s32 $0x0;
	s21 =	sshll.u32 s5, $0x1;
	s5 =	sadd.s32 s22, s3  }
0x15: {  	[timem:s7], [sflag:s23] =	dma.local [hbm:s5], s21  }
0x16: {  	_ =	swait.ge [sflag:s23], s21  }
0x17: {  	s4 =	ssub.s32 $0x0, s21;
	[sflag:s23] =	ssyncset.done $0x0  }
0x18: {  	[sflag:s23] =	ssyncadd.s32 s4;
	_ =	sdelay $0x1  }
0x19: {  	s24 =	simm.s32 $0x1B8B  }
0x1a: {  	_ =	swait.ge [sflag:s24], $0x1  }
0x1b: {  	[sflag:s24] =	ssyncset.done $0x0  }
0x1c: {  	s26 =	simm.s32 $0x1B8E;
	s25 =	sld [smem:$0x3FFE];
	[sflag:s24] =	ssyncadd.s32 $0xFFFFFFFF  }
0x1d: {  	s27 =	simm.s32 $execute0_lowered;
	[smem:$0x3FD2] =	sst s26  }
0x1e: {  	s5 =	sshll.u32 s27, $0x1;
	_ =	strace $0x80000049;
	[dreg:$0x1] =	wrdreg $0xFFFFFFFF  }
0x1f: {  	s28 =	simm.s32 $_size_execute0_lowered;
	s3 =	sadd.s32 s3, s5;
	[dreg:$0x0] =	wrdreg $0x0  }
0x20: {  	s5 =	sshll.u32 s28, $0x1;
	[dreg:$0x2] =	wrdreg s3  }
0x21: {  	[dreg:$0x3] =	wrdreg s5  }
0x22: {  	[dreg:$0x4] =	wrdreg $0xC0  }
0x23: {  	_ =	task [dreg:s7], $0x5FFFF  }
0x24: {  	[dreg:$0x1] =	wrdreg $0xFFFFFFFF  }
0x25: {  	[dreg:$0x0] =	wrdreg $0x60  }
0x26: {  	[dreg:$0x2] =	wrdreg s25  }
0x27: {  	[dreg:$0x3] =	wrdreg s2  }
0x28: {  	[dreg:$0x4] =	wrdreg $0x9  }
0x29: {  	_ =	task.clear_ibuf [dreg:s7], $0x5FFFF;
	_ =	strace $0x90000049  }
0x2a: {  	s29 =	simm.s32 $0x9;
	_ =	strace $0x8000004B  }
0x2b: {  	_ =	swait.ge [sflag:s29], $0x1  }
0x2c: {  	[sflag:s29] =	ssyncadd.s32 $0xFFFFFFFF  }
0x2d: {  	_ =	strace $0x9000004B  }
0x2e: {  	_ =	sfence  }
0x2f: {  	s30 =	sld [smem:$0x0];
	_ =	sdelay $0x2  }
0x30: {  	s31 =	sshll.u32 s1, $0xD;
	s1 =	sshrl.u32 s1, $0x2  }
0x31: {  	s3 =	sand.u32 $0x4000, s31;
	s1 =	sadd.s32 s1, s30  }
0x32: {  	s0 =	sor.u32 s3, s0;
	s1 =	sshll.u32 s1, $0x11  }
0x33: {  	s0 =	sor.u32 s1, s0  }
0x34: {  	s0 =	sadd.s32 $0x8F2B, s0  }
0x35: {  	[sflag:s0] =	ssyncadd.remote.s32 $0x1  }
0x36: {  	_ =	sfence.sel $0xFFFF  }
0x37: {  	[dreg:$0x0] =	wrdreg $0xFFFFFFFF;
	(pc) =	sbr.abs _section_cstart, $3  }
0x38: {  	[dreg:$0x1] =	wrdreg $0xFFFFFFFF  }
0x39: {  	_ =	task.clear_ibuf [dreg:s7], $0x2FFFF;
	_ =	strace $0x9FFFFFFF  }
0x3a: {  	(tm) =	ssettm $0x7FFFFFFF  }
0x3b: {  	_ =	shalt  }
tec
execute0_lowered:
.L_overlay_start_1:
0x0: {  	(tag) =	ssettag $0x1  }
0x1: {  	s0 =	srdreg.scid  }
0x2: {  	s1 =	sshll.u32 s0, $0x4  }
0x3: {  	s0 =	stileid.u32;
	s1 =	sand.u32 $0x10, s1  }
0x4: {  	s1 =	sor.u32 s0, s1  }
0x5: {  	s6 =	rddreg [dreg:$0x0];
	s4 =	simm.s32 $0x1;
	s2 =	sshll.u32 s1, $0x7  }
0x6: {  	s7 =	simm.s32 $0x2;
	s12 =	simm.s32 $0x0;
	s1 =	ssub.s32 $0x4000, s2  }
0x7: {  	s8 =	simm.s32 $0x20000;
	s13 =	simm.s32 $0x0;
	s3 =	sand.u32 $0xF80, s1  }
0x8: {  	s9 =	simm.s32 $0x0;
	s5 =	sshrl.u32 s1, $0xC;
	p0 =	sne.s32 s3, $0x0  }
.Ltmp0:
0x9: {  	s1 =	rddreg [dreg:$0x2];
	s4 =	simm.s32 @!p0 $0x0;
	(pc) =	sbr.rel .LBB1_1-.Ltmp0, $4  }
0xa: {  	s11 =	simm.s32 $0x0;
	s3 =	rddreg [dreg:$0x1];
	s5 =	sadd.s32 s4, s5  }
0xb: {  	_ =	strace $0x8000004A;
	s4 =	simm.s32 $0x1;
	s5 =	smul.u32 $0x32, s5  }
0xc: {  	s6 =	sadd.s32 $0xA00, s6;
	s10 =	smov.u32 s2;
	[sflag:s4] =	ssyncpa.u1 $0x0  }
0xd: {  	p0 =	por $0x0, $0x0;
	[sflag:s7] =	ssyncpa.u1 $0x0;
	s7 =	sor.u32 $0x1, s5  }
.LBB1_4:
0xe: {  	s16 =	sshll.u32 s13, $0x3;
	s17 =	sand.u32 $0x78, s13  }
0xf: {  	s30 =	sand.u32 $0x1F800, s13;
	s12 =	sshll.u32 s12, $0x11;
	s16 =	sand.u32 $0x3C00, s16  }
0x10: {  	[tilespmem:s15+$0x810 ss:$0x81] =	vst.msk $0xffff, v2;
	s31 =	sand.u32 $0x7, s13;
	s16 =	sor.u32 s17, s16;
	s17 =	sadd.s32 s3, s30  }
0x11: {  	[tilespmem:s15+$0x1020 ss:$0x81] =	vst.msk $0xffff, v0;
	s13 =	sshll.u32 s31, $0x12;
	s12 =	sadd.s32 s12, s17;
	s16 =	sshrl.u32 s16, $0x3  }
0x12: {  	[tilespmem:s15+$0x0 ss:$0x81] =	vst.msk $0xffff, v1;
	s13 =	sor.u32 $0x400, s13;
	s12 =	sadd.s32 s16, s12  }
0x13: {  	[hbm4b:s12+s13] =	stream.strided.scatter [tilespmem:s14], [sflag:$0x2], $0x2000, s8, s13, $0x20;
	[tilespmem:$0x8080] =	vst v63  }
.LBB1_5:
0x14: {  	s14 =	sadd.s32 $0x1, s9  }
0x15: {  	s12 =	sadd.s32 $0x1000, s10;
	s16 =	smov.u32 s10;
	p2 =	sgt.s32 s14, $0x31  }
0x16: {  	s16 =	smov.u32 @p2 s12  }
0x17: {  	s14 =	simm.s32 @p2 $0x0;
	p2 =	sgt.s32 s16, $0x3FFF  }
0x18: {  	s16 =	smov.u32 @p2 s2;
	p2 =	sne.s32 s11, s7  }
.Ltmp1:
0x19: {  	p1 =	slt.u32 s11, $0x2;
	(pc) =	sbr.rel @!p2 .LBB1_6-.Ltmp1, $4  }
0x1a: {  	s15 =	simm.s32 @!p1 $0x2  }
0x1b: {  	s13 =	smov.u32 s10;
	p0 =	por !p0, !p0;
	_ =	swait.ge @!p1 [sflag:s15], $0x2000  }
0x1c: {  	s12 =	smov.u32 s9;
	[sflag:s15] =	ssyncset.done @!p1 $0x0;
	s9 =	smov.u32 s14  }
0x1d: {  	s11 =	sadd.s32 $0x1, s11;
	[sflag:s15] =	ssyncadd.s32 @!p1 $0xFFFFE000;
	s10 =	smov.u32 s16  }
.LBB1_1:
0x1e: {  	p1 =	sge.u32 s11, s5  }
0x1f: {  	s14 =	sand.u32 @!p1 $0x1FFFFFF, s9  }
0x20: {  	s15 =	smulhi.u32 @!p1 $0x4924925, s14;
	_ =	sdelay $0x1  }
0x21: {  	s15 =	smul.u32 @!p1 $0x38, s15  }
0x22: {  	s16 =	sxor.u32 @!p1 $0xFFFFFFFF, s11;
	s17 =	smul.u32 @!p1 $0x380, s10  }
0x23: {  	s31 =	sadd.s32 $0xFFFFFFFF, s11;
	s16 =	sshll.u32 @!p1 s16, $0xD;
	s14 =	ssub.s32 @!p1 s14, s15  }
0x24: {  	s15 =	sand.u32 @!p1 $0x2000, s16;
	s16 =	sadd.s32 @!p1 s6, s17;
	s14 =	sshll.u32 @!p1 s14, $0x4  }
0x25: {  	s17 =	simm.s32 @!p1 $0x1C00;
	s14 =	sadd.s32 @!p1 s14, s16;
	s16 =	simm.s32 @!p1 $0x40  }
0x26: {  	[tilespmem:s15], [sflag:$0x1] =	stream.strided.gather @!p1 [hbm4b:s14+s16], $0x2000, s17, s16, $0x38;
	[tilespmem:$0x8080] =	vst v63  }
0x27: {  	p1 =	sge.u32 s31, s5  }
.Ltmp2:
0x28: {  	_ = 	snop;
	(pc) =	sbr.rel @p1 .LBB1_5-.Ltmp2, $1  }
0x29: {  	_ =	sdelay $0x3  }
0x2a: {  	s14 =	simm.s32 $0x1  }
0x2b: {  	_ =	swait.ge [sflag:s4], $0x2000;
	s14 =	simm.s32 @!p0 $0x0  }
0x2c: {  	[sflag:s4] =	ssyncset.done $0x0;
	s15 =	sshll.u32 s14, $0xD  }
0x2d: {  	[sflag:s4] =	ssyncadd.s32 $0xFFFFE000;
	s18 =	sor.u32 $0x20, s15  }
0x2e: {  	s14 =	smul.u32 $0x8100, s14;
	v3 =	vld [tilespmem:s18+$0x10]  }
0x2f: {  	s30 =	sand.u32 $0x1, s11;
	v2 =	vld [tilespmem:s18+$0xFFFFFFF0]  }
0x30: {  	s15 =	smul.u32 $0x8100, s30;
	s14 =	sshrl.u32 s14, $0x2;
	v0 =	vld [tilespmem:s18+$0x0]  }
0x31: {  	v1 =	vld [tilespmem:s18+$0xFFFFFFE0];
	s16 =	sor.u32 $0x4000, s14  }
0x32: {  	s31 =	sshrl.u32 s15, $0x2;
	s15 =	sadd.s32 $0x0, s16  }
0x33: {  	s17 =	simm.s32 $0x4;
	s18 =	sadd.s32 $0x40, s18;
	s14 =	sor.u32 $0x4000, s31;
	[tilespmem:s15+$0x1830 ss:$0x81] =	vst.msk $0xffff, v3  }
.LBB1_3:
0x34: {  	v3 =	vld [tilespmem:s18+$0x10];
	p1 =	sne.s32 s17, $0x1FC;
	[tilespmem:s15+$0x810 ss:$0x81] =	vst.msk $0xffff, v2;
	s19 =	smov.u32 s17;
	s17 =	sadd.s32 $0x4, s17  }
.Ltmp3:
0x35: {  	v2 =	vld [tilespmem:s18+$0xFFFFFFF0];
	[tilespmem:s15+$0x1020 ss:$0x81] =	vst.msk $0xffff, v0;
	(pc) =	sbr.rel @p1 .LBB1_3-.Ltmp3, $4  }
0x36: {  	v0 =	vld [tilespmem:s18+$0x0];
	[tilespmem:s15+$0x0 ss:$0x81] =	vst.msk $0xffff, v1  }
0x37: {  	s15 =	sshra.s32 s19, $0x2;
	v1 =	vld [tilespmem:s18+$0xFFFFFFE0]  }
0x38: {  	s15 =	sadd.s32 s15, s16  }
0x39: {  	s18 =	sadd.s32 $0x40, s18;
	[tilespmem:s15+$0x1830 ss:$0x81] =	vst.msk $0xffff, v3  }
.Ltmp4:
0x3a: {  	_ = 	snop;
	(pc) =	sbr.rel .LBB1_4-.Ltmp4, $1  }
0x3b: {  	_ =	sdelay $0x3  }
.LBB1_6:
0x3c: {  	_ =	sfence.sel $0x180000  }
0x3d: {  	s2 =	simm.s32 $0x1;
	[bflag:$0x0] =	sbarrier.arrive $0xFFFF  }
0x3e: {  	s31 =	simm.s32 $0x2;
	[sflag:s2] =	ssyncpa.u1 $0x1  }
0x3f: {  	[sflag:s31] =	ssyncpa.u1 $0x1  }
0x40: {  	p0 =	sne.s32 s0, $0x0;
	_ =	strace $0x9000004A  }
0x41: {  	s0 =	sadd.s32 @!p0 $0x100000, s1;
	[bflag:$0x2] =	sbarrier.arrive $0xFFFF  }
0x42: {  	[sflag:s0] =	ssyncadd.tile.s32 @!p0 $0x1;
	_ =	shalt  }
.Lfunc_end1:
_tile_overlayer_lowered:
.L_overlay_start_2:
0x43: {  	(tag) =	ssettag $0x2  }
0x44: {  	s0 =	rddreg [dreg:$0x0];
	s2 =	stileid.u32  }
0x45: {  	s1 =	rddreg [dreg:$0x1];
	p0 =	sne.s32 s2, $0x0  }
0x46: {  	s3 =	rddreg [dreg:$0x2];
	[bflag:$0x3] =	sbarrier.arrive $0xFFFF;
	s2 =	simm.s32 @!p0 $0x1C01  }
0x47: {  	[timem:s3], [sflag:s2] =	dma.local @!p0 [hbm:s0], s1  }
0x48: {  	s0 =	simm.s32 @!p0 $0x1  }
0x49: {  	_ =	swait.ge @!p0 [sflag:s0], s1  }
0x4a: {  	s1 =	ssub.s32 @!p0 $0x0, s1;
	[sflag:s0] =	ssyncset.done @!p0 $0x0  }
0x4b: {  	[sflag:s0] =	ssyncadd.s32 @!p0 s1  }
0x4c: {  	[bflag:$0x3] =	sbarrier.arrive $0xFFFF  }
0x4d: {  	_ =	shalt  }

</sc_bundles>
